<compile_context>
chip_gen: v7x
topology: tpu7x:2x2x1
jax: 0.10.2.dev20260603
libtpu: 0.0.44.dev20260713+nightly
codegen_flags: <defaults>
</compile_context>

<pallas_src>
import functools

import jax
import jax.numpy as jnp
from jax import lax
from jax.experimental import pallas as pl
from jax.experimental.pallas import tpu as pltpu
from jax.experimental.pallas import tpu_sc as plsc

EPS = 0.01
CLAMP_STEP = 0.1
NUM_GRAPHS = 64

NC = 2
NS = 16
NT = NC * NS

RB = 400
CB = 512


def _counts_body(b_ref, k_ref):
  b = b_ref[...]
  g = lax.broadcasted_iota(jnp.int32, (NUM_GRAPHS, 1), 0)
  oh = (b == g).astype(jnp.float32)
  ones = jnp.ones((1, b.shape[1]), jnp.float32)
  counts = lax.dot_general(
      ones, oh, (((1,), (1,)), ((), ())),
      precision=lax.Precision.HIGHEST, preferred_element_type=jnp.float32)
  cnt_node = lax.dot_general(
      counts, oh, (((1,), (0,)), ((), ())),
      precision=lax.Precision.HIGHEST, preferred_element_type=jnp.float32)
  k_ref[...] = lax.rsqrt(jnp.maximum(cnt_node, 1.0))


def _counts_call(bp, np_):
  return pl.pallas_call(
      _counts_body,
      out_shape=jax.ShapeDtypeStruct((1, np_), jnp.float32),
  )(bp)


def _make_attract(np_, ch):
  mesh = plsc.VectorSubcoreMesh(
      core_axis_name="c", subcore_axis_name="s", num_cores=NC, num_subcores=NS)
  acc_len = 2 * np_
  slc = acc_len // NS

  @functools.partial(
      pl.kernel,
      out_type=jax.ShapeDtypeStruct((NC, acc_len), jnp.float32),
      mesh=mesh,
      scratch_types=[
          pltpu.VMEM((np_,), jnp.float32),
          pltpu.VMEM((np_,), jnp.float32),
          pltpu.VMEM((np_,), jnp.float32),
          pltpu.VMEM((ch, 128), jnp.int32),
          pltpu.VMEM((ch, 128), jnp.int32),
          pltpu.VMEM((acc_len,), jnp.float32),
          pltpu.VMEM((slc,), jnp.float32),
          pltpu.VMEM((slc,), jnp.float32),
          pltpu.VMEM_SHARED((NS, acc_len), jnp.float32),
      ],
      compiler_params=pltpu.CompilerParams(needs_layout_passes=False))
  def attract(x_hbm, y_hbm, k_hbm, rows_hbm, cols_hbm, out_hbm,
              x_vm, y_vm, k_vm, ridx, cidx, acc, red, tmp, stage):
    c = lax.axis_index("c")
    s = lax.axis_index("s")
    tid = c * NS + s

    pltpu.sync_copy(x_hbm, x_vm)
    pltpu.sync_copy(y_hbm, y_vm)
    pltpu.sync_copy(k_hbm, k_vm)
    pltpu.sync_copy(rows_hbm.at[tid], ridx)
    pltpu.sync_copy(cols_hbm.at[tid], cidx)

    zero16 = jnp.zeros((16,), jnp.float32)

    def zero_body(i, _):
      for u in range(8):
        acc[pl.ds((i * 8 + u) * 16, 16)] = zero16
      return 0
    lax.fori_loop(0, acc_len // 128, zero_body, 0)

    npc = jnp.full((16,), np_, jnp.int32)

    def edge_chunk(q, j):
      ri = ridx[j, pl.ds(q * 16, 16)]
      ci = cidx[j, pl.ds(q * 16, 16)]
      xr = plsc.load_gather(x_vm, [ri])
      xc = plsc.load_gather(x_vm, [ci])
      yr = plsc.load_gather(y_vm, [ri])
      yc = plsc.load_gather(y_vm, [ci])
      kr = plsc.load_gather(k_vm, [ri])
      dx = xr - xc
      dy = yr - yc
      sq = dx * dx + dy * dy
      bi = plsc.bitcast(sq, jnp.int32)
      w = plsc.bitcast(jnp.int32(0x5F3759DF) - (bi >> 1), jnp.float32)
      xh = 0.5 * sq
      w = w * (1.5 - xh * w * w)
      w = w * (1.5 - xh * w * w)
      dist = sq * w + EPS
      mag = -(dist / kr)
      ax = mag * dx
      ay = mag * dy
      plsc.addupdate_scatter(acc, [ri], ax)
      plsc.addupdate_scatter(acc, [ri + npc], ay)
      plsc.addupdate_scatter(acc, [ci], -ax)
      plsc.addupdate_scatter(acc, [ci + npc], -ay)
      return j

    def edge_row(j, _):
      for q in range(8):
        edge_chunk(q, j)
      return 0
    lax.fori_loop(0, ch, edge_row, 0)

    pltpu.sync_copy(acc, stage.at[s])
    plsc.subcore_barrier()

    pltpu.sync_copy(stage.at[0, pl.ds(s * slc, slc)], red)

    def red_tile(t, _):
      pltpu.sync_copy(stage.at[t, pl.ds(s * slc, slc)], tmp)

      def red_vec(i, _):
        for u in range(4):
          o = (i * 4 + u) * 16
          red[pl.ds(o, 16)] = red[pl.ds(o, 16)] + tmp[pl.ds(o, 16)]
        return 0
      lax.fori_loop(0, slc // 64, red_vec, 0)
      return 0
    lax.fori_loop(1, NS, red_tile, 0)

    pltpu.sync_copy(red, out_hbm.at[c, pl.ds(s * slc, slc)])

  return attract


def _repulse_body(xr_ref, yr_ref, br_ref, xc_ref, yc_ref, bc_ref,
                  ox_ref, oy_ref):
  br = br_ref[...]
  bc_full = bc_ref[...]
  b_min = jnp.min(br)
  b_max = jnp.max(br)
  lo = jnp.sum((bc_full < b_min).astype(jnp.int32))
  hi = jnp.sum((bc_full <= b_max).astype(jnp.int32))
  c0 = lo // CB
  c1 = (hi + CB - 1) // CB
  xr = xr_ref[...]
  yr = yr_ref[...]

  def body(ci, carry):
    ax, ay, cnt = carry
    st = ci * CB
    xc = xc_ref[0, pl.ds(st, CB)][None, :]
    yc = yc_ref[0, pl.ds(st, CB)][None, :]
    bcc = bc_ref[0, pl.ds(st, CB)][None, :]
    dx = xr - xc
    dy = yr - yc
    sq = dx * dx + dy * dy
    dist = jnp.sqrt(sq) + EPS
    inv = 1.0 / dist
    m = (bcc == br).astype(jnp.float32)
    w = inv * inv * m
    ax = ax + jnp.sum(dx * w, axis=1, keepdims=True)
    ay = ay + jnp.sum(dy * w, axis=1, keepdims=True)
    cnt = cnt + jnp.sum(m, axis=1, keepdims=True)
    return ax, ay, cnt

  z = jnp.zeros((RB, 1), jnp.float32)
  ax, ay, cnt = lax.fori_loop(c0, c1, body, (z, z, z))
  k2 = 1.0 / jnp.maximum(cnt, 1.0)
  ox_ref[...] = ax * k2
  oy_ref[...] = ay * k2


def _repulse_call(xr, yr, br, xc, yc, bc, n, np_):
  grid = n // RB
  return pl.pallas_call(
      _repulse_body,
      grid=(grid,),
      in_specs=[
          pl.BlockSpec((RB, 1), lambda t: (t, 0)),
          pl.BlockSpec((RB, 1), lambda t: (t, 0)),
          pl.BlockSpec((RB, 1), lambda t: (t, 0)),
          pl.BlockSpec((1, np_), lambda t: (0, 0)),
          pl.BlockSpec((1, np_), lambda t: (0, 0)),
          pl.BlockSpec((1, np_), lambda t: (0, 0)),
      ],
      out_specs=[
          pl.BlockSpec((RB, 1), lambda t: (t, 0)),
          pl.BlockSpec((RB, 1), lambda t: (t, 0)),
      ],
      out_shape=[jax.ShapeDtypeStruct((n, 1), jnp.float32),
                 jax.ShapeDtypeStruct((n, 1), jnp.float32)],
  )(xr, yr, br, xc, yc, bc)


def _combine_body(al_ref, h_ref, fax_ref, fay_ref, rx_ref, ry_ref, o_ref):
  alpha = al_ref[0, 0]
  fx = fax_ref[:, 0:1] + fax_ref[:, 1:2] + rx_ref[...]
  fy = fay_ref[:, 0:1] + fay_ref[:, 1:2] + ry_ref[...]
  dx = alpha * fx
  dy = alpha * fy
  nrm = jnp.sqrt(dx * dx + dy * dy)
  scale = jnp.minimum(CLAMP_STEP / (nrm + 1e-9), 1.0)
  dx = dx * scale
  dy = dy * scale
  h = h_ref[...]
  d = h.shape[1]
  lane = lax.broadcasted_iota(jnp.int32, (RB, d), 1)
  o_ref[...] = h + jnp.where(lane == 0, dx, 0.0) + jnp.where(lane == 1, dy, 0.0)


def _combine_call(alpha2, h_t, fax, fay, rx, ry, n, d):
  grid = n // RB
  return pl.pallas_call(
      _combine_body,
      grid=(grid,),
      in_specs=[
          pl.BlockSpec(memory_space=pltpu.SMEM),
          pl.BlockSpec((RB, d), lambda t: (t, 0)),
          pl.BlockSpec((RB, 2), lambda t: (t, 0)),
          pl.BlockSpec((RB, 2), lambda t: (t, 0)),
          pl.BlockSpec((RB, 1), lambda t: (t, 0)),
          pl.BlockSpec((RB, 1), lambda t: (t, 0)),
      ],
      out_specs=pl.BlockSpec((RB, d), lambda t: (t, 0)),
      out_shape=jax.ShapeDtypeStruct((n, d), jnp.float32),
  )(alpha2, h_t, fax, fay, rx, ry)


def kernel(h_t, edge_index, batch, alpha):
  n, d = h_t.shape
  e = edge_index.shape[1]

  np_ = ((n + 1 + NS * 8 - 1) // (NS * 8)) * (NS * 8)
  np_ = ((np_ + CB - 1) // CB) * CB
  ept = e // NT
  ch = (ept + 127) // 128
  ept_p = ch * 128

  x = h_t[:, 0]
  y = h_t[:, 1]
  xp = jnp.pad(x, (0, np_ - n))
  yp = jnp.pad(y, (0, np_ - n))
  bp_cnt = jnp.pad(batch, (0, np_ - n), constant_values=NUM_GRAPHS)
  bp_rep = jnp.pad(batch, (0, np_ - n), constant_values=jnp.int32(1 << 30))

  k_row = _counts_call(bp_cnt.reshape(1, np_), np_)
  kp = k_row.reshape(np_)

  rows = edge_index[0].reshape(NT, ept)
  cols = edge_index[1].reshape(NT, ept)
  rows3 = jnp.pad(rows, ((0, 0), (0, ept_p - ept)),
                  constant_values=n).reshape(NT, ch, 128)
  cols3 = jnp.pad(cols, ((0, 0), (0, ept_p - ept)),
                  constant_values=n).reshape(NT, ch, 128)

  attract = _make_attract(np_, ch)
  out_sc = attract(xp, yp, kp, rows3, cols3)

  fax = out_sc[:, :np_].T[:n]
  fay = out_sc[:, np_:].T[:n]

  rx, ry = _repulse_call(
      x[:, None], y[:, None], batch[:, None],
      xp[None, :], yp[None, :], bp_rep[None, :], n, np_)

  alpha2 = jnp.asarray(alpha, jnp.float32).reshape(1, 1)
  return _combine_call(alpha2, h_t, fax, fay, rx, ry, n, d)

# --- scband reference (transcript-rebuilt; emitter-appended) ---
"""Pipeline reference for scband-frcell-36455682408727 (READ-ONLY COPY).

The authoritative reference and input builder live on the scoring server;
editing this copy changes nothing except your own understanding.
"""

import jax, jax.numpy as jnp
import numpy as np

N = 10000
E = 320000
D = 128
G = 64
EPS = 0.01
CLAMP_STEP = 0.1


def _safe_norm(x, axis, keepdims=False):
    # Forward-identical to jnp.linalg.norm, but with well-defined (zero) gradient
    # at exactly-zero vectors (diagonal of pairwise diffs, self-loop edges).
    sq = jnp.sum(x * x, axis=axis, keepdims=keepdims)
    safe = jnp.where(sq > 0, sq, 1.0)
    return jnp.where(sq > 0, jnp.sqrt(safe), 0.0)


def setup_inputs(seed: int = 0) -> dict:
    key = jax.random.key(seed)
    k1, k2, k3 = jax.random.split(key, 3)
    h_t = jax.random.normal(k1, (N, D), dtype=jnp.float32)
    edge_index = jax.random.randint(k2, (2, E), 0, N, dtype=jnp.int32)
    batch = jnp.sort(jax.random.randint(k3, (N,), 0, G, dtype=jnp.int32))
    alpha = jnp.array(1.0, dtype=jnp.float32)  # learned step size (nn.Parameter)
    return {"h_t": h_t, "edge_index": edge_index, "batch": batch, "alpha": alpha}


def _fr_forces(coords, edge_index, batch):
    n = coords.shape[0]
    ones = jnp.ones((n,), dtype=coords.dtype)
    num_nodes_per_graph = jax.ops.segment_sum(ones, batch, num_segments=G)
    k_per_graph = 1.0 / jnp.sqrt(jnp.maximum(num_nodes_per_graph, 1.0))
    k_node = k_per_graph[batch]
    row = edge_index[0]
    col = edge_index[1]
    diff = coords[row] - coords[col]
    dist = _safe_norm(diff, axis=1) + EPS
    k_e = k_node[row]
    attr_vec_row = -(dist / k_e)[:, None] * diff
    F_attr = jnp.zeros_like(coords)
    F_attr = F_attr.at[row].add(attr_vec_row)
    F_attr = F_attr.at[col].add(-attr_vec_row)
    node_idx = jnp.arange(n, dtype=jnp.int32)
    block = 1000 if n % 1000 == 0 else n
    num_blocks = n // block

    def _rep_block(args):
        c_rows, b_rows, k_rows, i_rows = args
        diff_g = c_rows[:, None, :] - coords[None, :, :]
        dist_g = _safe_norm(diff_g, axis=2) + EPS
        mag_rep_g = (k_rows * k_rows)[:, None] / dist_g
        mask = (b_rows[:, None] == batch[None, :]) & (i_rows[:, None] != node_idx[None, :])
        mag_rep_g = mag_rep_g * mask.astype(coords.dtype)
        dir_g = diff_g / dist_g[:, :, None]
        return jnp.sum(mag_rep_g[:, :, None] * dir_g, axis=1)

    F_rep_blocks = jax.lax.map(
        _rep_block,
        (
            coords.reshape(num_blocks, block, coords.shape[1]),
            batch.reshape(num_blocks, block),
            k_node.reshape(num_blocks, block),
            node_idx.reshape(num_blocks, block),
        ),
    )
    F_rep = F_rep_blocks.reshape(n, coords.shape[1])
    return F_attr + F_rep


def reference(h_t, edge_index, batch, alpha):
    coords_t = h_t[:, :2]
    feat_t = h_t[:, 2:]
    delta_fr = _fr_forces(coords_t, edge_index, batch)
    delta_total = alpha * delta_fr
    step_norm = _safe_norm(delta_total, axis=1, keepdims=True)
    scale = jnp.minimum(CLAMP_STEP / (step_norm + 1e-9), 1.0)
    delta_total = delta_total * scale
    coords_next = coords_t + delta_total
    return jnp.concatenate([coords_next, feat_t], axis=1)

if __name__ == "__main__":
    import jax
    _d = setup_inputs()
    print(jax.jit(kernel)(*tuple(_d.values())))

</pallas_src>

<mosaic_0001>
#map = affine_map<(d0, d1) -> (0)>
#map1 = affine_map<(d0, d1) -> (0, 0, 0)>
#map2 = affine_map<(d0, d1) -> (0, 0)>
module attributes {stable_mosaic.version = 14 : i64} {
  func.func @attract(%arg0: i32, %arg1: i32, %arg2: memref<10240xf32, #tpu.memory_space<hbm>>, %arg3: memref<10240xf32, #tpu.memory_space<hbm>>, %arg4: memref<10240xf32, #tpu.memory_space<hbm>>, %arg5: memref<32x79x128xi32, #tpu.memory_space<hbm>>, %arg6: memref<32x79x128xi32, #tpu.memory_space<hbm>>, %arg7: memref<2x20480xf32, #tpu.memory_space<hbm>>, %arg8: memref<10240xf32, #tpu.memory_space<vmem>>, %arg9: memref<10240xf32, #tpu.memory_space<vmem>>, %arg10: memref<10240xf32, #tpu.memory_space<vmem>>, %arg11: memref<79x128xi32, #tpu.memory_space<vmem>>, %arg12: memref<79x128xi32, #tpu.memory_space<vmem>>, %arg13: memref<20480xf32, #tpu.memory_space<vmem>>, %arg14: memref<1280xf32, #tpu.memory_space<vmem>>, %arg15: memref<1280xf32, #tpu.memory_space<vmem>>, %arg16: memref<16x20480xf32, #tpu.memory_space<vmem_shared>>) attributes {dimension_semantics = [#tpu.dimension_semantics<core_parallel>, #tpu.dimension_semantics<subcore_parallel>], iteration_bounds = array<i64: 2, 16>, scalar_prefetch = 0 : i64, scratch_operands = 9 : i64, tpu.core_type = #tpu.core_type<sc_vector_subcore>, window_params = [{transform_indices = #map}, {transform_indices = #map}, {transform_indices = #map}, {transform_indices = #map1}, {transform_indices = #map1}, {transform_indices = #map2}]} {
    %mul3A = arith.constant 16 : i32
    %mul3A_0 = arith.muli %arg0, %mul3A : i32
    %add3A = arith.addi %mul3A_0, %arg1 : i32
    "tpu.region"() ({
      %run_scoped3A_28 = tpu.sem_alloc : memref<!tpu.dma_semaphore, #tpu.memory_space<semaphore_mem>>
      tpu.enqueue_dma source(%arg2 : memref<10240xf32, #tpu.memory_space<hbm>>) target(%arg8 : memref<10240xf32, #tpu.memory_space<vmem>>) target_semaphore(%run_scoped3A_28 : memref<!tpu.dma_semaphore, #tpu.memory_space<semaphore_mem>>)
      tpu.wait_dma2 semaphore(%run_scoped3A_28 : memref<!tpu.dma_semaphore, #tpu.memory_space<semaphore_mem>>) src(%arg2 : memref<10240xf32, #tpu.memory_space<hbm>>) dst(%arg8 : memref<10240xf32, #tpu.memory_space<vmem>>)
      tpu.yield
    }) : () -> ()
    "tpu.region"() ({
      %run_scoped3A_28 = tpu.sem_alloc : memref<!tpu.dma_semaphore, #tpu.memory_space<semaphore_mem>>
      tpu.enqueue_dma source(%arg3 : memref<10240xf32, #tpu.memory_space<hbm>>) target(%arg9 : memref<10240xf32, #tpu.memory_space<vmem>>) target_semaphore(%run_scoped3A_28 : memref<!tpu.dma_semaphore, #tpu.memory_space<semaphore_mem>>)
      tpu.wait_dma2 semaphore(%run_scoped3A_28 : memref<!tpu.dma_semaphore, #tpu.memory_space<semaphore_mem>>) src(%arg3 : memref<10240xf32, #tpu.memory_space<hbm>>) dst(%arg9 : memref<10240xf32, #tpu.memory_space<vmem>>)
      tpu.yield
    }) : () -> ()
    "tpu.region"() ({
      %run_scoped3A_28 = tpu.sem_alloc : memref<!tpu.dma_semaphore, #tpu.memory_space<semaphore_mem>>
      tpu.enqueue_dma source(%arg4 : memref<10240xf32, #tpu.memory_space<hbm>>) target(%arg10 : memref<10240xf32, #tpu.memory_space<vmem>>) target_semaphore(%run_scoped3A_28 : memref<!tpu.dma_semaphore, #tpu.memory_space<semaphore_mem>>)
      tpu.wait_dma2 semaphore(%run_scoped3A_28 : memref<!tpu.dma_semaphore, #tpu.memory_space<semaphore_mem>>) src(%arg4 : memref<10240xf32, #tpu.memory_space<hbm>>) dst(%arg10 : memref<10240xf32, #tpu.memory_space<vmem>>)
      tpu.yield
    }) : () -> ()
    "tpu.region"() ({
      %run_scoped3A_28 = tpu.sem_alloc : memref<!tpu.dma_semaphore, #tpu.memory_space<semaphore_mem>>
      %dma_start3A = arith.constant 0 : i32
      %dma_start3A_29 = arith.constant 0 : i32
      %dma_start3A_30 = tpu.memref_slice %arg5[%add3A, %dma_start3A, %dma_start3A_29] : memref<32x79x128xi32, #tpu.memory_space<hbm>> -> memref<1x79x128xi32, #tpu.memory_space<hbm>>
      %dma_start3A_31 = tpu.memref_squeeze %dma_start3A_30 : memref<1x79x128xi32, #tpu.memory_space<hbm>> -> memref<79x128xi32, #tpu.memory_space<hbm>>
      %dma_start3A_32 = arith.constant 0 : i32
      %dma_start3A_33 = arith.constant 0 : i32
      %dma_start3A_34 = tpu.memref_slice %arg5[%add3A, %dma_start3A_32, %dma_start3A_33] : memref<32x79x128xi32, #tpu.memory_space<hbm>> -> memref<1x79x128xi32, #tpu.memory_space<hbm>>
      %dma_start3A_35 = tpu.memref_squeeze %dma_start3A_34 : memref<1x79x128xi32, #tpu.memory_space<hbm>> -> memref<79x128xi32, #tpu.memory_space<hbm>>
      tpu.enqueue_dma source(%dma_start3A_35 : memref<79x128xi32, #tpu.memory_space<hbm>>) target(%arg11 : memref<79x128xi32, #tpu.memory_space<vmem>>) target_semaphore(%run_scoped3A_28 : memref<!tpu.dma_semaphore, #tpu.memory_space<semaphore_mem>>)
      %dma_wait3A = arith.constant 0 : i32
      %dma_wait3A_36 = arith.constant 0 : i32
      %dma_wait3A_37 = tpu.memref_slice %arg5[%add3A, %dma_wait3A, %dma_wait3A_36] : memref<32x79x128xi32, #tpu.memory_space<hbm>> -> memref<1x79x128xi32, #tpu.memory_space<hbm>>
      %dma_wait3A_38 = tpu.memref_squeeze %dma_wait3A_37 : memref<1x79x128xi32, #tpu.memory_space<hbm>> -> memref<79x128xi32, #tpu.memory_space<hbm>>
      %dma_wait3A_39 = arith.constant 0 : i32
      %dma_wait3A_40 = arith.constant 0 : i32
      %dma_wait3A_41 = tpu.memref_slice %arg5[%add3A, %dma_wait3A_39, %dma_wait3A_40] : memref<32x79x128xi32, #tpu.memory_space<hbm>> -> memref<1x79x128xi32, #tpu.memory_space<hbm>>
      %dma_wait3A_42 = tpu.memref_squeeze %dma_wait3A_41 : memref<1x79x128xi32, #tpu.memory_space<hbm>> -> memref<79x128xi32, #tpu.memory_space<hbm>>
      tpu.wait_dma2 semaphore(%run_scoped3A_28 : memref<!tpu.dma_semaphore, #tpu.memory_space<semaphore_mem>>) src(%dma_wait3A_42 : memref<79x128xi32, #tpu.memory_space<hbm>>) dst(%arg11 : memref<79x128xi32, #tpu.memory_space<vmem>>)
      tpu.yield
    }) : () -> ()
    "tpu.region"() ({
      %run_scoped3A_28 = tpu.sem_alloc : memref<!tpu.dma_semaphore, #tpu.memory_space<semaphore_mem>>
      %dma_start3A = arith.constant 0 : i32
      %dma_start3A_29 = arith.constant 0 : i32
      %dma_start3A_30 = tpu.memref_slice %arg6[%add3A, %dma_start3A, %dma_start3A_29] : memref<32x79x128xi32, #tpu.memory_space<hbm>> -> memref<1x79x128xi32, #tpu.memory_space<hbm>>
      %dma_start3A_31 = tpu.memref_squeeze %dma_start3A_30 : memref<1x79x128xi32, #tpu.memory_space<hbm>> -> memref<79x128xi32, #tpu.memory_space<hbm>>
      %dma_start3A_32 = arith.constant 0 : i32
      %dma_start3A_33 = arith.constant 0 : i32
      %dma_start3A_34 = tpu.memref_slice %arg6[%add3A, %dma_start3A_32, %dma_start3A_33] : memref<32x79x128xi32, #tpu.memory_space<hbm>> -> memref<1x79x128xi32, #tpu.memory_space<hbm>>
      %dma_start3A_35 = tpu.memref_squeeze %dma_start3A_34 : memref<1x79x128xi32, #tpu.memory_space<hbm>> -> memref<79x128xi32, #tpu.memory_space<hbm>>
      tpu.enqueue_dma source(%dma_start3A_35 : memref<79x128xi32, #tpu.memory_space<hbm>>) target(%arg12 : memref<79x128xi32, #tpu.memory_space<vmem>>) target_semaphore(%run_scoped3A_28 : memref<!tpu.dma_semaphore, #tpu.memory_space<semaphore_mem>>)
      %dma_wait3A = arith.constant 0 : i32
      %dma_wait3A_36 = arith.constant 0 : i32
      %dma_wait3A_37 = tpu.memref_slice %arg6[%add3A, %dma_wait3A, %dma_wait3A_36] : memref<32x79x128xi32, #tpu.memory_space<hbm>> -> memref<1x79x128xi32, #tpu.memory_space<hbm>>
      %dma_wait3A_38 = tpu.memref_squeeze %dma_wait3A_37 : memref<1x79x128xi32, #tpu.memory_space<hbm>> -> memref<79x128xi32, #tpu.memory_space<hbm>>
      %dma_wait3A_39 = arith.constant 0 : i32
      %dma_wait3A_40 = arith.constant 0 : i32
      %dma_wait3A_41 = tpu.memref_slice %arg6[%add3A, %dma_wait3A_39, %dma_wait3A_40] : memref<32x79x128xi32, #tpu.memory_space<hbm>> -> memref<1x79x128xi32, #tpu.memory_space<hbm>>
      %dma_wait3A_42 = tpu.memref_squeeze %dma_wait3A_41 : memref<1x79x128xi32, #tpu.memory_space<hbm>> -> memref<79x128xi32, #tpu.memory_space<hbm>>
      tpu.wait_dma2 semaphore(%run_scoped3A_28 : memref<!tpu.dma_semaphore, #tpu.memory_space<semaphore_mem>>) src(%dma_wait3A_42 : memref<79x128xi32, #tpu.memory_space<hbm>>) dst(%arg12 : memref<79x128xi32, #tpu.memory_space<vmem>>)
      tpu.yield
    }) : () -> ()
    %broadcast_in_dim3A = arith.constant 0.000000e+00 : f32
    %broadcast_in_dim3A_1 = vector.broadcast %broadcast_in_dim3A : f32 to vector<16xf32>
    %scan3A = arith.constant 0 : i32
    %scan3A_2 = arith.constant 0 : i32
    %scan3A_3 = arith.constant 160 : i32
    %scan3A_4 = arith.addi %scan3A_2, %scan3A_3 : i32
    %scan3A_5 = arith.constant 1 : i32
    %scan3A_6 = scf.for %scan3A_28 = %scan3A_2 to %scan3A_4 step %scan3A_5 iter_args(%scan3A_29 = %scan3A) -> (i32)  : i32 {
      %mul3A_30 = arith.constant 8 : i32
      %mul3A_31 = arith.muli %scan3A_28, %mul3A_30 : i32
      %add3A_32 = arith.constant 0 : i32
      %add3A_33 = arith.addi %mul3A_31, %add3A_32 : i32
      %mul3A_34 = arith.constant 16 : i32
      %mul3A_35 = arith.muli %add3A_33, %mul3A_34 : i32
      %swap3A = arith.index_cast %mul3A_35 : i32 to index
      %swap3A_36 = tpu.vector_load %arg13[%swap3A] {strides = array<i32>} : memref<20480xf32, #tpu.memory_space<vmem>>, vector<16xf32>,
      tpu.vector_store %arg13[%swap3A], %broadcast_in_dim3A_1 {strides = array<i32>} : memref<20480xf32, #tpu.memory_space<vmem>>, vector<16xf32>,
      %mul3A_37 = arith.constant 8 : i32
      %mul3A_38 = arith.muli %scan3A_28, %mul3A_37 : i32
      %add3A_39 = arith.constant 1 : i32
      %add3A_40 = arith.addi %mul3A_38, %add3A_39 : i32
      %mul3A_41 = arith.constant 16 : i32
      %mul3A_42 = arith.muli %add3A_40, %mul3A_41 : i32
      %swap3A_43 = arith.index_cast %mul3A_42 : i32 to index
      %swap3A_44 = tpu.vector_load %arg13[%swap3A_43] {strides = array<i32>} : memref<20480xf32, #tpu.memory_space<vmem>>, vector<16xf32>,
      tpu.vector_store %arg13[%swap3A_43], %broadcast_in_dim3A_1 {strides = array<i32>} : memref<20480xf32, #tpu.memory_space<vmem>>, vector<16xf32>,
      %mul3A_45 = arith.constant 8 : i32
      %mul3A_46 = arith.muli %scan3A_28, %mul3A_45 : i32
      %add3A_47 = arith.constant 2 : i32
      %add3A_48 = arith.addi %mul3A_46, %add3A_47 : i32
      %mul3A_49 = arith.constant 16 : i32
      %mul3A_50 = arith.muli %add3A_48, %mul3A_49 : i32
      %swap3A_51 = arith.index_cast %mul3A_50 : i32 to index
      %swap3A_52 = tpu.vector_load %arg13[%swap3A_51] {strides = array<i32>} : memref<20480xf32, #tpu.memory_space<vmem>>, vector<16xf32>,
      tpu.vector_store %arg13[%swap3A_51], %broadcast_in_dim3A_1 {strides = array<i32>} : memref<20480xf32, #tpu.memory_space<vmem>>, vector<16xf32>,
      %mul3A_53 = arith.constant 8 : i32
      %mul3A_54 = arith.muli %scan3A_28, %mul3A_53 : i32
      %add3A_55 = arith.constant 3 : i32
      %add3A_56 = arith.addi %mul3A_54, %add3A_55 : i32
      %mul3A_57 = arith.constant 16 : i32
      %mul3A_58 = arith.muli %add3A_56, %mul3A_57 : i32
      %swap3A_59 = arith.index_cast %mul3A_58 : i32 to index
      %swap3A_60 = tpu.vector_load %arg13[%swap3A_59] {strides = array<i32>} : memref<20480xf32, #tpu.memory_space<vmem>>, vector<16xf32>,
      tpu.vector_store %arg13[%swap3A_59], %broadcast_in_dim3A_1 {strides = array<i32>} : memref<20480xf32, #tpu.memory_space<vmem>>, vector<16xf32>,
      %mul3A_61 = arith.constant 8 : i32
      %mul3A_62 = arith.muli %scan3A_28, %mul3A_61 : i32
      %add3A_63 = arith.constant 4 : i32
      %add3A_64 = arith.addi %mul3A_62, %add3A_63 : i32
      %mul3A_65 = arith.constant 16 : i32
      %mul3A_66 = arith.muli %add3A_64, %mul3A_65 : i32
      %swap3A_67 = arith.index_cast %mul3A_66 : i32 to index
      %swap3A_68 = tpu.vector_load %arg13[%swap3A_67] {strides = array<i32>} : memref<20480xf32, #tpu.memory_space<vmem>>, vector<16xf32>,
      tpu.vector_store %arg13[%swap3A_67], %broadcast_in_dim3A_1 {strides = array<i32>} : memref<20480xf32, #tpu.memory_space<vmem>>, vector<16xf32>,
      %mul3A_69 = arith.constant 8 : i32
      %mul3A_70 = arith.muli %scan3A_28, %mul3A_69 : i32
      %add3A_71 = arith.constant 5 : i32
      %add3A_72 = arith.addi %mul3A_70, %add3A_71 : i32
      %mul3A_73 = arith.constant 16 : i32
      %mul3A_74 = arith.muli %add3A_72, %mul3A_73 : i32
      %swap3A_75 = arith.index_cast %mul3A_74 : i32 to index
      %swap3A_76 = tpu.vector_load %arg13[%swap3A_75] {strides = array<i32>} : memref<20480xf32, #tpu.memory_space<vmem>>, vector<16xf32>,
      tpu.vector_store %arg13[%swap3A_75], %broadcast_in_dim3A_1 {strides = array<i32>} : memref<20480xf32, #tpu.memory_space<vmem>>, vector<16xf32>,
      %mul3A_77 = arith.constant 8 : i32
      %mul3A_78 = arith.muli %scan3A_28, %mul3A_77 : i32
      %add3A_79 = arith.constant 6 : i32
      %add3A_80 = arith.addi %mul3A_78, %add3A_79 : i32
      %mul3A_81 = arith.constant 16 : i32
      %mul3A_82 = arith.muli %add3A_80, %mul3A_81 : i32
      %swap3A_83 = arith.index_cast %mul3A_82 : i32 to index
      %swap3A_84 = tpu.vector_load %arg13[%swap3A_83] {strides = array<i32>} : memref<20480xf32, #tpu.memory_space<vmem>>, vector<16xf32>,
      tpu.vector_store %arg13[%swap3A_83], %broadcast_in_dim3A_1 {strides = array<i32>} : memref<20480xf32, #tpu.memory_space<vmem>>, vector<16xf32>,
      %mul3A_85 = arith.constant 8 : i32
      %mul3A_86 = arith.muli %scan3A_28, %mul3A_85 : i32
      %add3A_87 = arith.constant 7 : i32
      %add3A_88 = arith.addi %mul3A_86, %add3A_87 : i32
      %mul3A_89 = arith.constant 16 : i32
      %mul3A_90 = arith.muli %add3A_88, %mul3A_89 : i32
      %swap3A_91 = arith.index_cast %mul3A_90 : i32 to index
      %swap3A_92 = tpu.vector_load %arg13[%swap3A_91] {strides = array<i32>} : memref<20480xf32, #tpu.memory_space<vmem>>, vector<16xf32>,
      tpu.vector_store %arg13[%swap3A_91], %broadcast_in_dim3A_1 {strides = array<i32>} : memref<20480xf32, #tpu.memory_space<vmem>>, vector<16xf32>,
      %scan3A_93 = arith.constant 0 : i32
      scf.yield %scan3A_93 : i32
    }
    %scan3A_7 = arith.constant 160 : i32
    %broadcast_in_dim3A_8 = arith.constant 10240 : i32
    %broadcast_in_dim3A_9 = vector.broadcast %broadcast_in_dim3A_8 : i32 to vector<16xi32>
    %scan3A_10 = arith.constant 0 : i32
    %scan3A_11 = arith.constant 0 : i32
    %scan3A_12 = arith.constant 79 : i32
    %scan3A_13 = arith.addi %scan3A_11, %scan3A_12 : i32
    %scan3A_14 = arith.constant 1 : i32
    %scan3A_15 = scf.for %scan3A_28 = %scan3A_11 to %scan3A_13 step %scan3A_14 iter_args(%scan3A_29 = %scan3A_10) -> (i32)  : i32 {
      %get3A = arith.index_cast %scan3A_28 : i32 to index
      %get3A_30 = arith.constant 0 : index
      %get3A_31 = tpu.vector_load %arg11[%get3A, %get3A_30] {strides = array<i32>} : memref<79x128xi32, #tpu.memory_space<vmem>>, vector<16xi32>,
      %get3A_32 = arith.index_cast %scan3A_28 : i32 to index
      %get3A_33 = arith.constant 0 : index
      %get3A_34 = tpu.vector_load %arg12[%get3A_32, %get3A_33] {strides = array<i32>} : memref<79x128xi32, #tpu.memory_space<vmem>>, vector<16xi32>,
      %gather3A = tpu.vector_load_idx %arg8[%get3A_31] : memref<10240xf32, #tpu.memory_space<vmem>>[vector<16xi32>], vector<16xf32>,
      %gather3A_35 = tpu.vector_load_idx %arg8[%get3A_34] : memref<10240xf32, #tpu.memory_space<vmem>>[vector<16xi32>], vector<16xf32>,
      %gather3A_36 = tpu.vector_load_idx %arg9[%get3A_31] : memref<10240xf32, #tpu.memory_space<vmem>>[vector<16xi32>], vector<16xf32>,
      %gather3A_37 = tpu.vector_load_idx %arg9[%get3A_34] : memref<10240xf32, #tpu.memory_space<vmem>>[vector<16xi32>], vector<16xf32>,
      %gather3A_38 = tpu.vector_load_idx %arg10[%get3A_31] : memref<10240xf32, #tpu.memory_space<vmem>>[vector<16xi32>], vector<16xf32>,
      %sub3A = arith.subf %gather3A, %gather3A_35 : vector<16xf32>
      %sub3A_39 = arith.subf %gather3A_36, %gather3A_37 : vector<16xf32>
      %mul3A_40 = arith.mulf %sub3A, %sub3A : vector<16xf32>
      %mul3A_41 = arith.mulf %sub3A_39, %sub3A_39 : vector<16xf32>
      %add3A_42 = arith.addf %mul3A_40, %mul3A_41 : vector<16xf32>
      %bitcast3A = vector.bitcast %add3A_42 : vector<16xf32> to vector<16xi32>
      %shift_right_arithmetic3A = arith.constant 1 : i32
      %shift_right_arithmetic3A_43 = vector.broadcast %shift_right_arithmetic3A : i32 to vector<16xi32>
      %shift_right_arithmetic3A_44 = arith.shrsi %bitcast3A, %shift_right_arithmetic3A_43 : vector<16xi32>
      %sub3A_45 = arith.constant 1597463007 : i32
      %sub3A_46 = vector.broadcast %sub3A_45 : i32 to vector<16xi32>
      %sub3A_47 = arith.subi %sub3A_46, %shift_right_arithmetic3A_44 : vector<16xi32>
      %bitcast3A_48 = vector.bitcast %sub3A_47 : vector<16xi32> to vector<16xf32>
      %mul3A_49 = arith.constant 5.000000e-01 : f32
      %mul3A_50 = vector.broadcast %mul3A_49 : f32 to vector<16xf32>
      %mul3A_51 = arith.mulf %mul3A_50, %add3A_42 : vector<16xf32>
      %mul3A_52 = arith.mulf %mul3A_51, %bitcast3A_48 : vector<16xf32>
      %mul3A_53 = arith.mulf %mul3A_52, %bitcast3A_48 : vector<16xf32>
      %sub3A_54 = arith.constant 1.500000e+00 : f32
      %sub3A_55 = vector.broadcast %sub3A_54 : f32 to vector<16xf32>
      %sub3A_56 = arith.subf %sub3A_55, %mul3A_53 : vector<16xf32>
      %mul3A_57 = arith.mulf %bitcast3A_48, %sub3A_56 : vector<16xf32>
      %mul3A_58 = arith.mulf %mul3A_51, %mul3A_57 : vector<16xf32>
      %mul3A_59 = arith.mulf %mul3A_58, %mul3A_57 : vector<16xf32>
      %sub3A_60 = arith.constant 1.500000e+00 : f32
      %sub3A_61 = vector.broadcast %sub3A_60 : f32 to vector<16xf32>
      %sub3A_62 = arith.subf %sub3A_61, %mul3A_59 : vector<16xf32>
      %mul3A_63 = arith.mulf %mul3A_57, %sub3A_62 : vector<16xf32>
      %mul3A_64 = arith.mulf %add3A_42, %mul3A_63 : vector<16xf32>
      %add3A_65 = arith.constant 0.00999999977 : f32
      %add3A_66 = vector.broadcast %add3A_65 : f32 to vector<16xf32>
      %add3A_67 = arith.addf %mul3A_64, %add3A_66 : vector<16xf32>
      %div3A = arith.divf %add3A_67, %gather3A_38 : vector<16xf32>
      %neg3A = arith.constant 0.000000e+00 : f32
      %neg3A_68 = vector.broadcast %neg3A : f32 to vector<16xf32>
      %neg3A_69 = arith.subf %neg3A_68, %div3A : vector<16xf32>
      %mul3A_70 = arith.mulf %neg3A_69, %sub3A : vector<16xf32>
      %mul3A_71 = arith.mulf %neg3A_69, %sub3A_39 : vector<16xf32>
      tpu.vector_store_idx %arg13[%get3A_31], %mul3A_70 {add = true} : memref<20480xf32, #tpu.memory_space<vmem>>[vector<16xi32>], vector<16xf32>,
      %add3A_72 = arith.addi %get3A_31, %broadcast_in_dim3A_9 : vector<16xi32>
      tpu.vector_store_idx %arg13[%add3A_72], %mul3A_71 {add = true} : memref<20480xf32, #tpu.memory_space<vmem>>[vector<16xi32>], vector<16xf32>,
      %neg3A_73 = arith.constant 0.000000e+00 : f32
      %neg3A_74 = vector.broadcast %neg3A_73 : f32 to vector<16xf32>
      %neg3A_75 = arith.subf %neg3A_74, %mul3A_70 : vector<16xf32>
      tpu.vector_store_idx %arg13[%get3A_34], %neg3A_75 {add = true} : memref<20480xf32, #tpu.memory_space<vmem>>[vector<16xi32>], vector<16xf32>,
      %add3A_76 = arith.addi %get3A_34, %broadcast_in_dim3A_9 : vector<16xi32>
      %neg3A_77 = arith.constant 0.000000e+00 : f32
      %neg3A_78 = vector.broadcast %neg3A_77 : f32 to vector<16xf32>
      %neg3A_79 = arith.subf %neg3A_78, %mul3A_71 : vector<16xf32>
      tpu.vector_store_idx %arg13[%add3A_76], %neg3A_79 {add = true} : memref<20480xf32, #tpu.memory_space<vmem>>[vector<16xi32>], vector<16xf32>,
      %get3A_80 = arith.index_cast %scan3A_28 : i32 to index
      %get3A_81 = arith.constant 16 : index
      %get3A_82 = tpu.vector_load %arg11[%get3A_80, %get3A_81] {strides = array<i32>} : memref<79x128xi32, #tpu.memory_space<vmem>>, vector<16xi32>,
      %get3A_83 = arith.index_cast %scan3A_28 : i32 to index
      %get3A_84 = arith.constant 16 : index
      %get3A_85 = tpu.vector_load %arg12[%get3A_83, %get3A_84] {strides = array<i32>} : memref<79x128xi32, #tpu.memory_space<vmem>>, vector<16xi32>,
      %gather3A_86 = tpu.vector_load_idx %arg8[%get3A_82] : memref<10240xf32, #tpu.memory_space<vmem>>[vector<16xi32>], vector<16xf32>,
      %gather3A_87 = tpu.vector_load_idx %arg8[%get3A_85] : memref<10240xf32, #tpu.memory_space<vmem>>[vector<16xi32>], vector<16xf32>,
      %gather3A_88 = tpu.vector_load_idx %arg9[%get3A_82] : memref<10240xf32, #tpu.memory_space<vmem>>[vector<16xi32>], vector<16xf32>,
      %gather3A_89 = tpu.vector_load_idx %arg9[%get3A_85] : memref<10240xf32, #tpu.memory_space<vmem>>[vector<16xi32>], vector<16xf32>,
      %gather3A_90 = tpu.vector_load_idx %arg10[%get3A_82] : memref<10240xf32, #tpu.memory_space<vmem>>[vector<16xi32>], vector<16xf32>,
      %sub3A_91 = arith.subf %gather3A_86, %gather3A_87 : vector<16xf32>
      %sub3A_92 = arith.subf %gather3A_88, %gather3A_89 : vector<16xf32>
      %mul3A_93 = arith.mulf %sub3A_91, %sub3A_91 : vector<16xf32>
      %mul3A_94 = arith.mulf %sub3A_92, %sub3A_92 : vector<16xf32>
      %add3A_95 = arith.addf %mul3A_93, %mul3A_94 : vector<16xf32>
      %bitcast3A_96 = vector.bitcast %add3A_95 : vector<16xf32> to vector<16xi32>
      %shift_right_arithmetic3A_97 = arith.constant 1 : i32
      %shift_right_arithmetic3A_98 = vector.broadcast %shift_right_arithmetic3A_97 : i32 to vector<16xi32>
      %shift_right_arithmetic3A_99 = arith.shrsi %bitcast3A_96, %shift_right_arithmetic3A_98 : vector<16xi32>
      %sub3A_100 = arith.constant 1597463007 : i32
      %sub3A_101 = vector.broadcast %sub3A_100 : i32 to vector<16xi32>
      %sub3A_102 = arith.subi %sub3A_101, %shift_right_arithmetic3A_99 : vector<16xi32>
      %bitcast3A_103 = vector.bitcast %sub3A_102 : vector<16xi32> to vector<16xf32>
      %mul3A_104 = arith.constant 5.000000e-01 : f32
      %mul3A_105 = vector.broadcast %mul3A_104 : f32 to vector<16xf32>
      %mul3A_106 = arith.mulf %mul3A_105, %add3A_95 : vector<16xf32>
      %mul3A_107 = arith.mulf %mul3A_106, %bitcast3A_103 : vector<16xf32>
      %mul3A_108 = arith.mulf %mul3A_107, %bitcast3A_103 : vector<16xf32>
      %sub3A_109 = arith.constant 1.500000e+00 : f32
      %sub3A_110 = vector.broadcast %sub3A_109 : f32 to vector<16xf32>
      %sub3A_111 = arith.subf %sub3A_110, %mul3A_108 : vector<16xf32>
      %mul3A_112 = arith.mulf %bitcast3A_103, %sub3A_111 : vector<16xf32>
      %mul3A_113 = arith.mulf %mul3A_106, %mul3A_112 : vector<16xf32>
      %mul3A_114 = arith.mulf %mul3A_113, %mul3A_112 : vector<16xf32>
      %sub3A_115 = arith.constant 1.500000e+00 : f32
      %sub3A_116 = vector.broadcast %sub3A_115 : f32 to vector<16xf32>
      %sub3A_117 = arith.subf %sub3A_116, %mul3A_114 : vector<16xf32>
      %mul3A_118 = arith.mulf %mul3A_112, %sub3A_117 : vector<16xf32>
      %mul3A_119 = arith.mulf %add3A_95, %mul3A_118 : vector<16xf32>
      %add3A_120 = arith.constant 0.00999999977 : f32
      %add3A_121 = vector.broadcast %add3A_120 : f32 to vector<16xf32>
      %add3A_122 = arith.addf %mul3A_119, %add3A_121 : vector<16xf32>
      %div3A_123 = arith.divf %add3A_122, %gather3A_90 : vector<16xf32>
      %neg3A_124 = arith.constant 0.000000e+00 : f32
      %neg3A_125 = vector.broadcast %neg3A_124 : f32 to vector<16xf32>
      %neg3A_126 = arith.subf %neg3A_125, %div3A_123 : vector<16xf32>
      %mul3A_127 = arith.mulf %neg3A_126, %sub3A_91 : vector<16xf32>
      %mul3A_128 = arith.mulf %neg3A_126, %sub3A_92 : vector<16xf32>
      tpu.vector_store_idx %arg13[%get3A_82], %mul3A_127 {add = true} : memref<20480xf32, #tpu.memory_space<vmem>>[vector<16xi32>], vector<16xf32>,
      %add3A_129 = arith.addi %get3A_82, %broadcast_in_dim3A_9 : vector<16xi32>
      tpu.vector_store_idx %arg13[%add3A_129], %mul3A_128 {add = true} : memref<20480xf32, #tpu.memory_space<vmem>>[vector<16xi32>], vector<16xf32>,
      %neg3A_130 = arith.constant 0.000000e+00 : f32
      %neg3A_131 = vector.broadcast %neg3A_130 : f32 to vector<16xf32>
      %neg3A_132 = arith.subf %neg3A_131, %mul3A_127 : vector<16xf32>
      tpu.vector_store_idx %arg13[%get3A_85], %neg3A_132 {add = true} : memref<20480xf32, #tpu.memory_space<vmem>>[vector<16xi32>], vector<16xf32>,
      %add3A_133 = arith.addi %get3A_85, %broadcast_in_dim3A_9 : vector<16xi32>
      %neg3A_134 = arith.constant 0.000000e+00 : f32
      %neg3A_135 = vector.broadcast %neg3A_134 : f32 to vector<16xf32>
      %neg3A_136 = arith.subf %neg3A_135, %mul3A_128 : vector<16xf32>
      tpu.vector_store_idx %arg13[%add3A_133], %neg3A_136 {add = true} : memref<20480xf32, #tpu.memory_space<vmem>>[vector<16xi32>], vector<16xf32>,
      %get3A_137 = arith.index_cast %scan3A_28 : i32 to index
      %get3A_138 = arith.constant 32 : index
      %get3A_139 = tpu.vector_load %arg11[%get3A_137, %get3A_138] {strides = array<i32>} : memref<79x128xi32, #tpu.memory_space<vmem>>, vector<16xi32>,
      %get3A_140 = arith.index_cast %scan3A_28 : i32 to index
      %get3A_141 = arith.constant 32 : index
      %get3A_142 = tpu.vector_load %arg12[%get3A_140, %get3A_141] {strides = array<i32>} : memref<79x128xi32, #tpu.memory_space<vmem>>, vector<16xi32>,
      %gather3A_143 = tpu.vector_load_idx %arg8[%get3A_139] : memref<10240xf32, #tpu.memory_space<vmem>>[vector<16xi32>], vector<16xf32>,
      %gather3A_144 = tpu.vector_load_idx %arg8[%get3A_142] : memref<10240xf32, #tpu.memory_space<vmem>>[vector<16xi32>], vector<16xf32>,
      %gather3A_145 = tpu.vector_load_idx %arg9[%get3A_139] : memref<10240xf32, #tpu.memory_space<vmem>>[vector<16xi32>], vector<16xf32>,
      %gather3A_146 = tpu.vector_load_idx %arg9[%get3A_142] : memref<10240xf32, #tpu.memory_space<vmem>>[vector<16xi32>], vector<16xf32>,
      %gather3A_147 = tpu.vector_load_idx %arg10[%get3A_139] : memref<10240xf32, #tpu.memory_space<vmem>>[vector<16xi32>], vector<16xf32>,
      %sub3A_148 = arith.subf %gather3A_143, %gather3A_144 : vector<16xf32>
      %sub3A_149 = arith.subf %gather3A_145, %gather3A_146 : vector<16xf32>
      %mul3A_150 = arith.mulf %sub3A_148, %sub3A_148 : vector<16xf32>
      %mul3A_151 = arith.mulf %sub3A_149, %sub3A_149 : vector<16xf32>
      %add3A_152 = arith.addf %mul3A_150, %mul3A_151 : vector<16xf32>
      %bitcast3A_153 = vector.bitcast %add3A_152 : vector<16xf32> to vector<16xi32>
      %shift_right_arithmetic3A_154 = arith.constant 1 : i32
      %shift_right_arithmetic3A_155 = vector.broadcast %shift_right_arithmetic3A_154 : i32 to vector<16xi32>
      %shift_right_arithmetic3A_156 = arith.shrsi %bitcast3A_153, %shift_right_arithmetic3A_155 : vector<16xi32>
      %sub3A_157 = arith.constant 1597463007 : i32
      %sub3A_158 = vector.broadcast %sub3A_157 : i32 to vector<16xi32>
      %sub3A_159 = arith.subi %sub3A_158, %shift_right_arithmetic3A_156 : vector<16xi32>
      %bitcast3A_160 = vector.bitcast %sub3A_159 : vector<16xi32> to vector<16xf32>
      %mul3A_161 = arith.constant 5.000000e-01 : f32
      %mul3A_162 = vector.broadcast %mul3A_161 : f32 to vector<16xf32>
      %mul3A_163 = arith.mulf %mul3A_162, %add3A_152 : vector<16xf32>
      %mul3A_164 = arith.mulf %mul3A_163, %bitcast3A_160 : vector<16xf32>
      %mul3A_165 = arith.mulf %mul3A_164, %bitcast3A_160 : vector<16xf32>
      %sub3A_166 = arith.constant 1.500000e+00 : f32
      %sub3A_167 = vector.broadcast %sub3A_166 : f32 to vector<16xf32>
      %sub3A_168 = arith.subf %sub3A_167, %mul3A_165 : vector<16xf32>
      %mul3A_169 = arith.mulf %bitcast3A_160, %sub3A_168 : vector<16xf32>
      %mul3A_170 = arith.mulf %mul3A_163, %mul3A_169 : vector<16xf32>
      %mul3A_171 = arith.mulf %mul3A_170, %mul3A_169 : vector<16xf32>
      %sub3A_172 = arith.constant 1.500000e+00 : f32
      %sub3A_173 = vector.broadcast %sub3A_172 : f32 to vector<16xf32>
      %sub3A_174 = arith.subf %sub3A_173, %mul3A_171 : vector<16xf32>
      %mul3A_175 = arith.mulf %mul3A_169, %sub3A_174 : vector<16xf32>
      %mul3A_176 = arith.mulf %add3A_152, %mul3A_175 : vector<16xf32>
      %add3A_177 = arith.constant 0.00999999977 : f32
      %add3A_178 = vector.broadcast %add3A_177 : f32 to vector<16xf32>
      %add3A_179 = arith.addf %mul3A_176, %add3A_178 : vector<16xf32>
      %div3A_180 = arith.divf %add3A_179, %gather3A_147 : vector<16xf32>
      %neg3A_181 = arith.constant 0.000000e+00 : f32
      %neg3A_182 = vector.broadcast %neg3A_181 : f32 to vector<16xf32>
      %neg3A_183 = arith.subf %neg3A_182, %div3A_180 : vector<16xf32>
      %mul3A_184 = arith.mulf %neg3A_183, %sub3A_148 : vector<16xf32>
      %mul3A_185 = arith.mulf %neg3A_183, %sub3A_149 : vector<16xf32>
      tpu.vector_store_idx %arg13[%get3A_139], %mul3A_184 {add = true} : memref<20480xf32, #tpu.memory_space<vmem>>[vector<16xi32>], vector<16xf32>,
      %add3A_186 = arith.addi %get3A_139, %broadcast_in_dim3A_9 : vector<16xi32>
      tpu.vector_store_idx %arg13[%add3A_186], %mul3A_185 {add = true} : memref<20480xf32, #tpu.memory_space<vmem>>[vector<16xi32>], vector<16xf32>,
      %neg3A_187 = arith.constant 0.000000e+00 : f32
      %neg3A_188 = vector.broadcast %neg3A_187 : f32 to vector<16xf32>
      %neg3A_189 = arith.subf %neg3A_188, %mul3A_184 : vector<16xf32>
      tpu.vector_store_idx %arg13[%get3A_142], %neg3A_189 {add = true} : memref<20480xf32, #tpu.memory_space<vmem>>[vector<16xi32>], vector<16xf32>,
      %add3A_190 = arith.addi %get3A_142, %broadcast_in_dim3A_9 : vector<16xi32>
      %neg3A_191 = arith.constant 0.000000e+00 : f32
      %neg3A_192 = vector.broadcast %neg3A_191 : f32 to vector<16xf32>
      %neg3A_193 = arith.subf %neg3A_192, %mul3A_185 : vector<16xf32>
      tpu.vector_store_idx %arg13[%add3A_190], %neg3A_193 {add = true} : memref<20480xf32, #tpu.memory_space<vmem>>[vector<16xi32>], vector<16xf32>,
      %get3A_194 = arith.index_cast %scan3A_28 : i32 to index
      %get3A_195 = arith.constant 48 : index
      %get3A_196 = tpu.vector_load %arg11[%get3A_194, %get3A_195] {strides = array<i32>} : memref<79x128xi32, #tpu.memory_space<vmem>>, vector<16xi32>,
      %get3A_197 = arith.index_cast %scan3A_28 : i32 to index
      %get3A_198 = arith.constant 48 : index
      %get3A_199 = tpu.vector_load %arg12[%get3A_197, %get3A_198] {strides = array<i32>} : memref<79x128xi32, #tpu.memory_space<vmem>>, vector<16xi32>,
      %gather3A_200 = tpu.vector_load_idx %arg8[%get3A_196] : memref<10240xf32, #tpu.memory_space<vmem>>[vector<16xi32>], vector<16xf32>,
      %gather3A_201 = tpu.vector_load_idx %arg8[%get3A_199] : memref<10240xf32, #tpu.memory_space<vmem>>[vector<16xi32>], vector<16xf32>,
      %gather3A_202 = tpu.vector_load_idx %arg9[%get3A_196] : memref<10240xf32, #tpu.memory_space<vmem>>[vector<16xi32>], vector<16xf32>,
      %gather3A_203 = tpu.vector_load_idx %arg9[%get3A_199] : memref<10240xf32, #tpu.memory_space<vmem>>[vector<16xi32>], vector<16xf32>,
      %gather3A_204 = tpu.vector_load_idx %arg10[%get3A_196] : memref<10240xf32, #tpu.memory_space<vmem>>[vector<16xi32>], vector<16xf32>,
      %sub3A_205 = arith.subf %gather3A_200, %gather3A_201 : vector<16xf32>
      %sub3A_206 = arith.subf %gather3A_202, %gather3A_203 : vector<16xf32>
      %mul3A_207 = arith.mulf %sub3A_205, %sub3A_205 : vector<16xf32>
      %mul3A_208 = arith.mulf %sub3A_206, %sub3A_206 : vector<16xf32>
      %add3A_209 = arith.addf %mul3A_207, %mul3A_208 : vector<16xf32>
      %bitcast3A_210 = vector.bitcast %add3A_209 : vector<16xf32> to vector<16xi32>
      %shift_right_arithmetic3A_211 = arith.constant 1 : i32
      %shift_right_arithmetic3A_212 = vector.broadcast %shift_right_arithmetic3A_211 : i32 to vector<16xi32>
      %shift_right_arithmetic3A_213 = arith.shrsi %bitcast3A_210, %shift_right_arithmetic3A_212 : vector<16xi32>
      %sub3A_214 = arith.constant 1597463007 : i32
      %sub3A_215 = vector.broadcast %sub3A_214 : i32 to vector<16xi32>
      %sub3A_216 = arith.subi %sub3A_215, %shift_right_arithmetic3A_213 : vector<16xi32>
      %bitcast3A_217 = vector.bitcast %sub3A_216 : vector<16xi32> to vector<16xf32>
      %mul3A_218 = arith.constant 5.000000e-01 : f32
      %mul3A_219 = vector.broadcast %mul3A_218 : f32 to vector<16xf32>
      %mul3A_220 = arith.mulf %mul3A_219, %add3A_209 : vector<16xf32>
      %mul3A_221 = arith.mulf %mul3A_220, %bitcast3A_217 : vector<16xf32>
      %mul3A_222 = arith.mulf %mul3A_221, %bitcast3A_217 : vector<16xf32>
      %sub3A_223 = arith.constant 1.500000e+00 : f32
      %sub3A_224 = vector.broadcast %sub3A_223 : f32 to vector<16xf32>
      %sub3A_225 = arith.subf %sub3A_224, %mul3A_222 : vector<16xf32>
      %mul3A_226 = arith.mulf %bitcast3A_217, %sub3A_225 : vector<16xf32>
      %mul3A_227 = arith.mulf %mul3A_220, %mul3A_226 : vector<16xf32>
      %mul3A_228 = arith.mulf %mul3A_227, %mul3A_226 : vector<16xf32>
      %sub3A_229 = arith.constant 1.500000e+00 : f32
      %sub3A_230 = vector.broadcast %sub3A_229 : f32 to vector<16xf32>
      %sub3A_231 = arith.subf %sub3A_230, %mul3A_228 : vector<16xf32>
      %mul3A_232 = arith.mulf %mul3A_226, %sub3A_231 : vector<16xf32>
      %mul3A_233 = arith.mulf %add3A_209, %mul3A_232 : vector<16xf32>
      %add3A_234 = arith.constant 0.00999999977 : f32
      %add3A_235 = vector.broadcast %add3A_234 : f32 to vector<16xf32>
      %add3A_236 = arith.addf %mul3A_233, %add3A_235 : vector<16xf32>
      %div3A_237 = arith.divf %add3A_236, %gather3A_204 : vector<16xf32>
      %neg3A_238 = arith.constant 0.000000e+00 : f32
      %neg3A_239 = vector.broadcast %neg3A_238 : f32 to vector<16xf32>
      %neg3A_240 = arith.subf %neg3A_239, %div3A_237 : vector<16xf32>
      %mul3A_241 = arith.mulf %neg3A_240, %sub3A_205 : vector<16xf32>
      %mul3A_242 = arith.mulf %neg3A_240, %sub3A_206 : vector<16xf32>
      tpu.vector_store_idx %arg13[%get3A_196], %mul3A_241 {add = true} : memref<20480xf32, #tpu.memory_space<vmem>>[vector<16xi32>], vector<16xf32>,
      %add3A_243 = arith.addi %get3A_196, %broadcast_in_dim3A_9 : vector<16xi32>
      tpu.vector_store_idx %arg13[%add3A_243], %mul3A_242 {add = true} : memref<20480xf32, #tpu.memory_space<vmem>>[vector<16xi32>], vector<16xf32>,
      %neg3A_244 = arith.constant 0.000000e+00 : f32
      %neg3A_245 = vector.broadcast %neg3A_244 : f32 to vector<16xf32>
      %neg3A_246 = arith.subf %neg3A_245, %mul3A_241 : vector<16xf32>
      tpu.vector_store_idx %arg13[%get3A_199], %neg3A_246 {add = true} : memref<20480xf32, #tpu.memory_space<vmem>>[vector<16xi32>], vector<16xf32>,
      %add3A_247 = arith.addi %get3A_199, %broadcast_in_dim3A_9 : vector<16xi32>
      %neg3A_248 = arith.constant 0.000000e+00 : f32
      %neg3A_249 = vector.broadcast %neg3A_248 : f32 to vector<16xf32>
      %neg3A_250 = arith.subf %neg3A_249, %mul3A_242 : vector<16xf32>
      tpu.vector_store_idx %arg13[%add3A_247], %neg3A_250 {add = true} : memref<20480xf32, #tpu.memory_space<vmem>>[vector<16xi32>], vector<16xf32>,
      %get3A_251 = arith.index_cast %scan3A_28 : i32 to index
      %get3A_252 = arith.constant 64 : index
      %get3A_253 = tpu.vector_load %arg11[%get3A_251, %get3A_252] {strides = array<i32>} : memref<79x128xi32, #tpu.memory_space<vmem>>, vector<16xi32>,
      %get3A_254 = arith.index_cast %scan3A_28 : i32 to index
      %get3A_255 = arith.constant 64 : index
      %get3A_256 = tpu.vector_load %arg12[%get3A_254, %get3A_255] {strides = array<i32>} : memref<79x128xi32, #tpu.memory_space<vmem>>, vector<16xi32>,
      %gather3A_257 = tpu.vector_load_idx %arg8[%get3A_253] : memref<10240xf32, #tpu.memory_space<vmem>>[vector<16xi32>], vector<16xf32>,
      %gather3A_258 = tpu.vector_load_idx %arg8[%get3A_256] : memref<10240xf32, #tpu.memory_space<vmem>>[vector<16xi32>], vector<16xf32>,
      %gather3A_259 = tpu.vector_load_idx %arg9[%get3A_253] : memref<10240xf32, #tpu.memory_space<vmem>>[vector<16xi32>], vector<16xf32>,
      %gather3A_260 = tpu.vector_load_idx %arg9[%get3A_256] : memref<10240xf32, #tpu.memory_space<vmem>>[vector<16xi32>], vector<16xf32>,
      %gather3A_261 = tpu.vector_load_idx %arg10[%get3A_253] : memref<10240xf32, #tpu.memory_space<vmem>>[vector<16xi32>], vector<16xf32>,
      %sub3A_262 = arith.subf %gather3A_257, %gather3A_258 : vector<16xf32>
      %sub3A_263 = arith.subf %gather3A_259, %gather3A_260 : vector<16xf32>
      %mul3A_264 = arith.mulf %sub3A_262, %sub3A_262 : vector<16xf32>
      %mul3A_265 = arith.mulf %sub3A_263, %sub3A_263 : vector<16xf32>
      %add3A_266 = arith.addf %mul3A_264, %mul3A_265 : vector<16xf32>
      %bitcast3A_267 = vector.bitcast %add3A_266 : vector<16xf32> to vector<16xi32>
      %shift_right_arithmetic3A_268 = arith.constant 1 : i32
      %shift_right_arithmetic3A_269 = vector.broadcast %shift_right_arithmetic3A_268 : i32 to vector<16xi32>
      %shift_right_arithmetic3A_270 = arith.shrsi %bitcast3A_267, %shift_right_arithmetic3A_269 : vector<16xi32>
      %sub3A_271 = arith.constant 1597463007 : i32
      %sub3A_272 = vector.broadcast %sub3A_271 : i32 to vector<16xi32>
      %sub3A_273 = arith.subi %sub3A_272, %shift_right_arithmetic3A_270 : vector<16xi32>
      %bitcast3A_274 = vector.bitcast %sub3A_273 : vector<16xi32> to vector<16xf32>
      %mul3A_275 = arith.constant 5.000000e-01 : f32
      %mul3A_276 = vector.broadcast %mul3A_275 : f32 to vector<16xf32>
      %mul3A_277 = arith.mulf %mul3A_276, %add3A_266 : vector<16xf32>
      %mul3A_278 = arith.mulf %mul3A_277, %bitcast3A_274 : vector<16xf32>
      %mul3A_279 = arith.mulf %mul3A_278, %bitcast3A_274 : vector<16xf32>
      %sub3A_280 = arith.constant 1.500000e+00 : f32
      %sub3A_281 = vector.broadcast %sub3A_280 : f32 to vector<16xf32>
      %sub3A_282 = arith.subf %sub3A_281, %mul3A_279 : vector<16xf32>
      %mul3A_283 = arith.mulf %bitcast3A_274, %sub3A_282 : vector<16xf32>
      %mul3A_284 = arith.mulf %mul3A_277, %mul3A_283 : vector<16xf32>
      %mul3A_285 = arith.mulf %mul3A_284, %mul3A_283 : vector<16xf32>
      %sub3A_286 = arith.constant 1.500000e+00 : f32
      %sub3A_287 = vector.broadcast %sub3A_286 : f32 to vector<16xf32>
      %sub3A_288 = arith.subf %sub3A_287, %mul3A_285 : vector<16xf32>
      %mul3A_289 = arith.mulf %mul3A_283, %sub3A_288 : vector<16xf32>
      %mul3A_290 = arith.mulf %add3A_266, %mul3A_289 : vector<16xf32>
      %add3A_291 = arith.constant 0.00999999977 : f32
      %add3A_292 = vector.broadcast %add3A_291 : f32 to vector<16xf32>
      %add3A_293 = arith.addf %mul3A_290, %add3A_292 : vector<16xf32>
      %div3A_294 = arith.divf %add3A_293, %gather3A_261 : vector<16xf32>
      %neg3A_295 = arith.constant 0.000000e+00 : f32
      %neg3A_296 = vector.broadcast %neg3A_295 : f32 to vector<16xf32>
      %neg3A_297 = arith.subf %neg3A_296, %div3A_294 : vector<16xf32>
      %mul3A_298 = arith.mulf %neg3A_297, %sub3A_262 : vector<16xf32>
      %mul3A_299 = arith.mulf %neg3A_297, %sub3A_263 : vector<16xf32>
      tpu.vector_store_idx %arg13[%get3A_253], %mul3A_298 {add = true} : memref<20480xf32, #tpu.memory_space<vmem>>[vector<16xi32>], vector<16xf32>,
      %add3A_300 = arith.addi %get3A_253, %broadcast_in_dim3A_9 : vector<16xi32>
      tpu.vector_store_idx %arg13[%add3A_300], %mul3A_299 {add = true} : memref<20480xf32, #tpu.memory_space<vmem>>[vector<16xi32>], vector<16xf32>,
      %neg3A_301 = arith.constant 0.000000e+00 : f32
      %neg3A_302 = vector.broadcast %neg3A_301 : f32 to vector<16xf32>
      %neg3A_303 = arith.subf %neg3A_302, %mul3A_298 : vector<16xf32>
      tpu.vector_store_idx %arg13[%get3A_256], %neg3A_303 {add = true} : memref<20480xf32, #tpu.memory_space<vmem>>[vector<16xi32>], vector<16xf32>,
      %add3A_304 = arith.addi %get3A_256, %broadcast_in_dim3A_9 : vector<16xi32>
      %neg3A_305 = arith.constant 0.000000e+00 : f32
      %neg3A_306 = vector.broadcast %neg3A_305 : f32 to vector<16xf32>
      %neg3A_307 = arith.subf %neg3A_306, %mul3A_299 : vector<16xf32>
      tpu.vector_store_idx %arg13[%add3A_304], %neg3A_307 {add = true} : memref<20480xf32, #tpu.memory_space<vmem>>[vector<16xi32>], vector<16xf32>,
      %get3A_308 = arith.index_cast %scan3A_28 : i32 to index
      %get3A_309 = arith.constant 80 : index
      %get3A_310 = tpu.vector_load %arg11[%get3A_308, %get3A_309] {strides = array<i32>} : memref<79x128xi32, #tpu.memory_space<vmem>>, vector<16xi32>,
      %get3A_311 = arith.index_cast %scan3A_28 : i32 to index
      %get3A_312 = arith.constant 80 : index
      %get3A_313 = tpu.vector_load %arg12[%get3A_311, %get3A_312] {strides = array<i32>} : memref<79x128xi32, #tpu.memory_space<vmem>>, vector<16xi32>,
      %gather3A_314 = tpu.vector_load_idx %arg8[%get3A_310] : memref<10240xf32, #tpu.memory_space<vmem>>[vector<16xi32>], vector<16xf32>,
      %gather3A_315 = tpu.vector_load_idx %arg8[%get3A_313] : memref<10240xf32, #tpu.memory_space<vmem>>[vector<16xi32>], vector<16xf32>,
      %gather3A_316 = tpu.vector_load_idx %arg9[%get3A_310] : memref<10240xf32, #tpu.memory_space<vmem>>[vector<16xi32>], vector<16xf32>,
      %gather3A_317 = tpu.vector_load_idx %arg9[%get3A_313] : memref<10240xf32, #tpu.memory_space<vmem>>[vector<16xi32>], vector<16xf32>,
      %gather3A_318 = tpu.vector_load_idx %arg10[%get3A_310] : memref<10240xf32, #tpu.memory_space<vmem>>[vector<16xi32>], vector<16xf32>,
      %sub3A_319 = arith.subf %gather3A_314, %gather3A_315 : vector<16xf32>
      %sub3A_320 = arith.subf %gather3A_316, %gather3A_317 : vector<16xf32>
      %mul3A_321 = arith.mulf %sub3A_319, %sub3A_319 : vector<16xf32>
      %mul3A_322 = arith.mulf %sub3A_320, %sub3A_320 : vector<16xf32>
      %add3A_323 = arith.addf %mul3A_321, %mul3A_322 : vector<16xf32>
      %bitcast3A_324 = vector.bitcast %add3A_323 : vector<16xf32> to vector<16xi32>
      %shift_right_arithmetic3A_325 = arith.constant 1 : i32
      %shift_right_arithmetic3A_326 = vector.broadcast %shift_right_arithmetic3A_325 : i32 to vector<16xi32>
      %shift_right_arithmetic3A_327 = arith.shrsi %bitcast3A_324, %shift_right_arithmetic3A_326 : vector<16xi32>
      %sub3A_328 = arith.constant 1597463007 : i32
      %sub3A_329 = vector.broadcast %sub3A_328 : i32 to vector<16xi32>
      %sub3A_330 = arith.subi %sub3A_329, %shift_right_arithmetic3A_327 : vector<16xi32>
      %bitcast3A_331 = vector.bitcast %sub3A_330 : vector<16xi32> to vector<16xf32>
      %mul3A_332 = arith.constant 5.000000e-01 : f32
      %mul3A_333 = vector.broadcast %mul3A_332 : f32 to vector<16xf32>
      %mul3A_334 = arith.mulf %mul3A_333, %add3A_323 : vector<16xf32>
      %mul3A_335 = arith.mulf %mul3A_334, %bitcast3A_331 : vector<16xf32>
      %mul3A_336 = arith.mulf %mul3A_335, %bitcast3A_331 : vector<16xf32>
      %sub3A_337 = arith.constant 1.500000e+00 : f32
      %sub3A_338 = vector.broadcast %sub3A_337 : f32 to vector<16xf32>
      %sub3A_339 = arith.subf %sub3A_338, %mul3A_336 : vector<16xf32>
      %mul3A_340 = arith.mulf %bitcast3A_331, %sub3A_339 : vector<16xf32>
      %mul3A_341 = arith.mulf %mul3A_334, %mul3A_340 : vector<16xf32>
      %mul3A_342 = arith.mulf %mul3A_341, %mul3A_340 : vector<16xf32>
      %sub3A_343 = arith.constant 1.500000e+00 : f32
      %sub3A_344 = vector.broadcast %sub3A_343 : f32 to vector<16xf32>
      %sub3A_345 = arith.subf %sub3A_344, %mul3A_342 : vector<16xf32>
      %mul3A_346 = arith.mulf %mul3A_340, %sub3A_345 : vector<16xf32>
      %mul3A_347 = arith.mulf %add3A_323, %mul3A_346 : vector<16xf32>
      %add3A_348 = arith.constant 0.00999999977 : f32
      %add3A_349 = vector.broadcast %add3A_348 : f32 to vector<16xf32>
      %add3A_350 = arith.addf %mul3A_347, %add3A_349 : vector<16xf32>
      %div3A_351 = arith.divf %add3A_350, %gather3A_318 : vector<16xf32>
      %neg3A_352 = arith.constant 0.000000e+00 : f32
      %neg3A_353 = vector.broadcast %neg3A_352 : f32 to vector<16xf32>
      %neg3A_354 = arith.subf %neg3A_353, %div3A_351 : vector<16xf32>
      %mul3A_355 = arith.mulf %neg3A_354, %sub3A_319 : vector<16xf32>
      %mul3A_356 = arith.mulf %neg3A_354, %sub3A_320 : vector<16xf32>
      tpu.vector_store_idx %arg13[%get3A_310], %mul3A_355 {add = true} : memref<20480xf32, #tpu.memory_space<vmem>>[vector<16xi32>], vector<16xf32>,
      %add3A_357 = arith.addi %get3A_310, %broadcast_in_dim3A_9 : vector<16xi32>
      tpu.vector_store_idx %arg13[%add3A_357], %mul3A_356 {add = true} : memref<20480xf32, #tpu.memory_space<vmem>>[vector<16xi32>], vector<16xf32>,
      %neg3A_358 = arith.constant 0.000000e+00 : f32
      %neg3A_359 = vector.broadcast %neg3A_358 : f32 to vector<16xf32>
      %neg3A_360 = arith.subf %neg3A_359, %mul3A_355 : vector<16xf32>
      tpu.vector_store_idx %arg13[%get3A_313], %neg3A_360 {add = true} : memref<20480xf32, #tpu.memory_space<vmem>>[vector<16xi32>], vector<16xf32>,
      %add3A_361 = arith.addi %get3A_313, %broadcast_in_dim3A_9 : vector<16xi32>
      %neg3A_362 = arith.constant 0.000000e+00 : f32
      %neg3A_363 = vector.broadcast %neg3A_362 : f32 to vector<16xf32>
      %neg3A_364 = arith.subf %neg3A_363, %mul3A_356 : vector<16xf32>
      tpu.vector_store_idx %arg13[%add3A_361], %neg3A_364 {add = true} : memref<20480xf32, #tpu.memory_space<vmem>>[vector<16xi32>], vector<16xf32>,
      %get3A_365 = arith.index_cast %scan3A_28 : i32 to index
      %get3A_366 = arith.constant 96 : index
      %get3A_367 = tpu.vector_load %arg11[%get3A_365, %get3A_366] {strides = array<i32>} : memref<79x128xi32, #tpu.memory_space<vmem>>, vector<16xi32>,
      %get3A_368 = arith.index_cast %scan3A_28 : i32 to index
      %get3A_369 = arith.constant 96 : index
      %get3A_370 = tpu.vector_load %arg12[%get3A_368, %get3A_369] {strides = array<i32>} : memref<79x128xi32, #tpu.memory_space<vmem>>, vector<16xi32>,
      %gather3A_371 = tpu.vector_load_idx %arg8[%get3A_367] : memref<10240xf32, #tpu.memory_space<vmem>>[vector<16xi32>], vector<16xf32>,
      %gather3A_372 = tpu.vector_load_idx %arg8[%get3A_370] : memref<10240xf32, #tpu.memory_space<vmem>>[vector<16xi32>], vector<16xf32>,
      %gather3A_373 = tpu.vector_load_idx %arg9[%get3A_367] : memref<10240xf32, #tpu.memory_space<vmem>>[vector<16xi32>], vector<16xf32>,
      %gather3A_374 = tpu.vector_load_idx %arg9[%get3A_370] : memref<10240xf32, #tpu.memory_space<vmem>>[vector<16xi32>], vector<16xf32>,
      %gather3A_375 = tpu.vector_load_idx %arg10[%get3A_367] : memref<10240xf32, #tpu.memory_space<vmem>>[vector<16xi32>], vector<16xf32>,
      %sub3A_376 = arith.subf %gather3A_371, %gather3A_372 : vector<16xf32>
      %sub3A_377 = arith.subf %gather3A_373, %gather3A_374 : vector<16xf32>
      %mul3A_378 = arith.mulf %sub3A_376, %sub3A_376 : vector<16xf32>
      %mul3A_379 = arith.mulf %sub3A_377, %sub3A_377 : vector<16xf32>
      %add3A_380 = arith.addf %mul3A_378, %mul3A_379 : vector<16xf32>
      %bitcast3A_381 = vector.bitcast %add3A_380 : vector<16xf32> to vector<16xi32>
      %shift_right_arithmetic3A_382 = arith.constant 1 : i32
      %shift_right_arithmetic3A_383 = vector.broadcast %shift_right_arithmetic3A_382 : i32 to vector<16xi32>
      %shift_right_arithmetic3A_384 = arith.shrsi %bitcast3A_381, %shift_right_arithmetic3A_383 : vector<16xi32>
      %sub3A_385 = arith.constant 1597463007 : i32
      %sub3A_386 = vector.broadcast %sub3A_385 : i32 to vector<16xi32>
      %sub3A_387 = arith.subi %sub3A_386, %shift_right_arithmetic3A_384 : vector<16xi32>
      %bitcast3A_388 = vector.bitcast %sub3A_387 : vector<16xi32> to vector<16xf32>
      %mul3A_389 = arith.constant 5.000000e-01 : f32
      %mul3A_390 = vector.broadcast %mul3A_389 : f32 to vector<16xf32>
      %mul3A_391 = arith.mulf %mul3A_390, %add3A_380 : vector<16xf32>
      %mul3A_392 = arith.mulf %mul3A_391, %bitcast3A_388 : vector<16xf32>
      %mul3A_393 = arith.mulf %mul3A_392, %bitcast3A_388 : vector<16xf32>
      %sub3A_394 = arith.constant 1.500000e+00 : f32
      %sub3A_395 = vector.broadcast %sub3A_394 : f32 to vector<16xf32>
      %sub3A_396 = arith.subf %sub3A_395, %mul3A_393 : vector<16xf32>
      %mul3A_397 = arith.mulf %bitcast3A_388, %sub3A_396 : vector<16xf32>
      %mul3A_398 = arith.mulf %mul3A_391, %mul3A_397 : vector<16xf32>
      %mul3A_399 = arith.mulf %mul3A_398, %mul3A_397 : vector<16xf32>
      %sub3A_400 = arith.constant 1.500000e+00 : f32
      %sub3A_401 = vector.broadcast %sub3A_400 : f32 to vector<16xf32>
      %sub3A_402 = arith.subf %sub3A_401, %mul3A_399 : vector<16xf32>
      %mul3A_403 = arith.mulf %mul3A_397, %sub3A_402 : vector<16xf32>
      %mul3A_404 = arith.mulf %add3A_380, %mul3A_403 : vector<16xf32>
      %add3A_405 = arith.constant 0.00999999977 : f32
      %add3A_406 = vector.broadcast %add3A_405 : f32 to vector<16xf32>
      %add3A_407 = arith.addf %mul3A_404, %add3A_406 : vector<16xf32>
      %div3A_408 = arith.divf %add3A_407, %gather3A_375 : vector<16xf32>
      %neg3A_409 = arith.constant 0.000000e+00 : f32
      %neg3A_410 = vector.broadcast %neg3A_409 : f32 to vector<16xf32>
      %neg3A_411 = arith.subf %neg3A_410, %div3A_408 : vector<16xf32>
      %mul3A_412 = arith.mulf %neg3A_411, %sub3A_376 : vector<16xf32>
      %mul3A_413 = arith.mulf %neg3A_411, %sub3A_377 : vector<16xf32>
      tpu.vector_store_idx %arg13[%get3A_367], %mul3A_412 {add = true} : memref<20480xf32, #tpu.memory_space<vmem>>[vector<16xi32>], vector<16xf32>,
      %add3A_414 = arith.addi %get3A_367, %broadcast_in_dim3A_9 : vector<16xi32>
      tpu.vector_store_idx %arg13[%add3A_414], %mul3A_413 {add = true} : memref<20480xf32, #tpu.memory_space<vmem>>[vector<16xi32>], vector<16xf32>,
      %neg3A_415 = arith.constant 0.000000e+00 : f32
      %neg3A_416 = vector.broadcast %neg3A_415 : f32 to vector<16xf32>
      %neg3A_417 = arith.subf %neg3A_416, %mul3A_412 : vector<16xf32>
      tpu.vector_store_idx %arg13[%get3A_370], %neg3A_417 {add = true} : memref<20480xf32, #tpu.memory_space<vmem>>[vector<16xi32>], vector<16xf32>,
      %add3A_418 = arith.addi %get3A_370, %broadcast_in_dim3A_9 : vector<16xi32>
      %neg3A_419 = arith.constant 0.000000e+00 : f32
      %neg3A_420 = vector.broadcast %neg3A_419 : f32 to vector<16xf32>
      %neg3A_421 = arith.subf %neg3A_420, %mul3A_413 : vector<16xf32>
      tpu.vector_store_idx %arg13[%add3A_418], %neg3A_421 {add = true} : memref<20480xf32, #tpu.memory_space<vmem>>[vector<16xi32>], vector<16xf32>,
      %get3A_422 = arith.index_cast %scan3A_28 : i32 to index
      %get3A_423 = arith.constant 112 : index
      %get3A_424 = tpu.vector_load %arg11[%get3A_422, %get3A_423] {strides = array<i32>} : memref<79x128xi32, #tpu.memory_space<vmem>>, vector<16xi32>,
      %get3A_425 = arith.index_cast %scan3A_28 : i32 to index
      %get3A_426 = arith.constant 112 : index
      %get3A_427 = tpu.vector_load %arg12[%get3A_425, %get3A_426] {strides = array<i32>} : memref<79x128xi32, #tpu.memory_space<vmem>>, vector<16xi32>,
      %gather3A_428 = tpu.vector_load_idx %arg8[%get3A_424] : memref<10240xf32, #tpu.memory_space<vmem>>[vector<16xi32>], vector<16xf32>,
      %gather3A_429 = tpu.vector_load_idx %arg8[%get3A_427] : memref<10240xf32, #tpu.memory_space<vmem>>[vector<16xi32>], vector<16xf32>,
      %gather3A_430 = tpu.vector_load_idx %arg9[%get3A_424] : memref<10240xf32, #tpu.memory_space<vmem>>[vector<16xi32>], vector<16xf32>,
      %gather3A_431 = tpu.vector_load_idx %arg9[%get3A_427] : memref<10240xf32, #tpu.memory_space<vmem>>[vector<16xi32>], vector<16xf32>,
      %gather3A_432 = tpu.vector_load_idx %arg10[%get3A_424] : memref<10240xf32, #tpu.memory_space<vmem>>[vector<16xi32>], vector<16xf32>,
      %sub3A_433 = arith.subf %gather3A_428, %gather3A_429 : vector<16xf32>
      %sub3A_434 = arith.subf %gather3A_430, %gather3A_431 : vector<16xf32>
      %mul3A_435 = arith.mulf %sub3A_433, %sub3A_433 : vector<16xf32>
      %mul3A_436 = arith.mulf %sub3A_434, %sub3A_434 : vector<16xf32>
      %add3A_437 = arith.addf %mul3A_435, %mul3A_436 : vector<16xf32>
      %bitcast3A_438 = vector.bitcast %add3A_437 : vector<16xf32> to vector<16xi32>
      %shift_right_arithmetic3A_439 = arith.constant 1 : i32
      %shift_right_arithmetic3A_440 = vector.broadcast %shift_right_arithmetic3A_439 : i32 to vector<16xi32>
      %shift_right_arithmetic3A_441 = arith.shrsi %bitcast3A_438, %shift_right_arithmetic3A_440 : vector<16xi32>
      %sub3A_442 = arith.constant 1597463007 : i32
      %sub3A_443 = vector.broadcast %sub3A_442 : i32 to vector<16xi32>
      %sub3A_444 = arith.subi %sub3A_443, %shift_right_arithmetic3A_441 : vector<16xi32>
      %bitcast3A_445 = vector.bitcast %sub3A_444 : vector<16xi32> to vector<16xf32>
      %mul3A_446 = arith.constant 5.000000e-01 : f32
      %mul3A_447 = vector.broadcast %mul3A_446 : f32 to vector<16xf32>
      %mul3A_448 = arith.mulf %mul3A_447, %add3A_437 : vector<16xf32>
      %mul3A_449 = arith.mulf %mul3A_448, %bitcast3A_445 : vector<16xf32>
      %mul3A_450 = arith.mulf %mul3A_449, %bitcast3A_445 : vector<16xf32>
      %sub3A_451 = arith.constant 1.500000e+00 : f32
      %sub3A_452 = vector.broadcast %sub3A_451 : f32 to vector<16xf32>
      %sub3A_453 = arith.subf %sub3A_452, %mul3A_450 : vector<16xf32>
      %mul3A_454 = arith.mulf %bitcast3A_445, %sub3A_453 : vector<16xf32>
      %mul3A_455 = arith.mulf %mul3A_448, %mul3A_454 : vector<16xf32>
      %mul3A_456 = arith.mulf %mul3A_455, %mul3A_454 : vector<16xf32>
      %sub3A_457 = arith.constant 1.500000e+00 : f32
      %sub3A_458 = vector.broadcast %sub3A_457 : f32 to vector<16xf32>
      %sub3A_459 = arith.subf %sub3A_458, %mul3A_456 : vector<16xf32>
      %mul3A_460 = arith.mulf %mul3A_454, %sub3A_459 : vector<16xf32>
      %mul3A_461 = arith.mulf %add3A_437, %mul3A_460 : vector<16xf32>
      %add3A_462 = arith.constant 0.00999999977 : f32
      %add3A_463 = vector.broadcast %add3A_462 : f32 to vector<16xf32>
      %add3A_464 = arith.addf %mul3A_461, %add3A_463 : vector<16xf32>
      %div3A_465 = arith.divf %add3A_464, %gather3A_432 : vector<16xf32>
      %neg3A_466 = arith.constant 0.000000e+00 : f32
      %neg3A_467 = vector.broadcast %neg3A_466 : f32 to vector<16xf32>
      %neg3A_468 = arith.subf %neg3A_467, %div3A_465 : vector<16xf32>
      %mul3A_469 = arith.mulf %neg3A_468, %sub3A_433 : vector<16xf32>
      %mul3A_470 = arith.mulf %neg3A_468, %sub3A_434 : vector<16xf32>
      tpu.vector_store_idx %arg13[%get3A_424], %mul3A_469 {add = true} : memref<20480xf32, #tpu.memory_space<vmem>>[vector<16xi32>], vector<16xf32>,
      %add3A_471 = arith.addi %get3A_424, %broadcast_in_dim3A_9 : vector<16xi32>
      tpu.vector_store_idx %arg13[%add3A_471], %mul3A_470 {add = true} : memref<20480xf32, #tpu.memory_space<vmem>>[vector<16xi32>], vector<16xf32>,
      %neg3A_472 = arith.constant 0.000000e+00 : f32
      %neg3A_473 = vector.broadcast %neg3A_472 : f32 to vector<16xf32>
      %neg3A_474 = arith.subf %neg3A_473, %mul3A_469 : vector<16xf32>
      tpu.vector_store_idx %arg13[%get3A_427], %neg3A_474 {add = true} : memref<20480xf32, #tpu.memory_space<vmem>>[vector<16xi32>], vector<16xf32>,
      %add3A_475 = arith.addi %get3A_427, %broadcast_in_dim3A_9 : vector<16xi32>
      %neg3A_476 = arith.constant 0.000000e+00 : f32
      %neg3A_477 = vector.broadcast %neg3A_476 : f32 to vector<16xf32>
      %neg3A_478 = arith.subf %neg3A_477, %mul3A_470 : vector<16xf32>
      tpu.vector_store_idx %arg13[%add3A_475], %neg3A_478 {add = true} : memref<20480xf32, #tpu.memory_space<vmem>>[vector<16xi32>], vector<16xf32>,
      %scan3A_479 = arith.constant 0 : i32
      scf.yield %scan3A_479 : i32
    }
    %scan3A_16 = arith.constant 79 : i32
    "tpu.region"() ({
      %run_scoped3A_28 = tpu.sem_alloc : memref<!tpu.dma_semaphore, #tpu.memory_space<semaphore_mem>>
      %dma_start3A = arith.constant 0 : i32
      %dma_start3A_29 = tpu.memref_slice %arg16[%arg1, %dma_start3A] : memref<16x20480xf32, #tpu.memory_space<vmem_shared>> -> memref<1x20480xf32, #tpu.memory_space<vmem_shared>>
      %dma_start3A_30 = tpu.memref_squeeze %dma_start3A_29 : memref<1x20480xf32, #tpu.memory_space<vmem_shared>> -> memref<20480xf32, #tpu.memory_space<vmem_shared>>
      %dma_start3A_31 = arith.constant 0 : i32
      %dma_start3A_32 = tpu.memref_slice %arg16[%arg1, %dma_start3A_31] : memref<16x20480xf32, #tpu.memory_space<vmem_shared>> -> memref<1x20480xf32, #tpu.memory_space<vmem_shared>>
      %dma_start3A_33 = tpu.memref_squeeze %dma_start3A_32 : memref<1x20480xf32, #tpu.memory_space<vmem_shared>> -> memref<20480xf32, #tpu.memory_space<vmem_shared>>
      tpu.enqueue_dma source(%arg13 : memref<20480xf32, #tpu.memory_space<vmem>>) target(%dma_start3A_33 : memref<20480xf32, #tpu.memory_space<vmem_shared>>) target_semaphore(%run_scoped3A_28 : memref<!tpu.dma_semaphore, #tpu.memory_space<semaphore_mem>>)
      %dma_wait3A = arith.constant 0 : i32
      %dma_wait3A_34 = tpu.memref_slice %arg16[%arg1, %dma_wait3A] : memref<16x20480xf32, #tpu.memory_space<vmem_shared>> -> memref<1x20480xf32, #tpu.memory_space<vmem_shared>>
      %dma_wait3A_35 = tpu.memref_squeeze %dma_wait3A_34 : memref<1x20480xf32, #tpu.memory_space<vmem_shared>> -> memref<20480xf32, #tpu.memory_space<vmem_shared>>
      %dma_wait3A_36 = arith.constant 0 : i32
      %dma_wait3A_37 = tpu.memref_slice %arg16[%arg1, %dma_wait3A_36] : memref<16x20480xf32, #tpu.memory_space<vmem_shared>> -> memref<1x20480xf32, #tpu.memory_space<vmem_shared>>
      %dma_wait3A_38 = tpu.memref_squeeze %dma_wait3A_37 : memref<1x20480xf32, #tpu.memory_space<vmem_shared>> -> memref<20480xf32, #tpu.memory_space<vmem_shared>>
      tpu.wait_dma2 semaphore(%run_scoped3A_28 : memref<!tpu.dma_semaphore, #tpu.memory_space<semaphore_mem>>) src(%arg13 : memref<20480xf32, #tpu.memory_space<vmem>>) dst(%dma_wait3A_38 : memref<20480xf32, #tpu.memory_space<vmem_shared>>)
      tpu.yield
    }) : () -> ()
    %barrier3A = arith.constant 0 : index
    tpu.barrier barrier_id(%barrier3A)
    %mul3A_17 = arith.constant 1280 : i32
    %mul3A_18 = arith.muli %arg1, %mul3A_17 : i32
    %run_scoped3A = arith.constant 0 : i32
    "tpu.region"() ({
      %run_scoped3A_28 = tpu.sem_alloc : memref<!tpu.dma_semaphore, #tpu.memory_space<semaphore_mem>>
      %dma_start3A = tpu.memref_slice %arg16[%run_scoped3A, %mul3A_18] : memref<16x20480xf32, #tpu.memory_space<vmem_shared>> -> memref<1x1280xf32, #tpu.memory_space<vmem_shared>>
      %dma_start3A_29 = tpu.memref_squeeze %dma_start3A : memref<1x1280xf32, #tpu.memory_space<vmem_shared>> -> memref<1280xf32, #tpu.memory_space<vmem_shared>>
      %dma_start3A_30 = tpu.memref_slice %arg16[%run_scoped3A, %mul3A_18] : memref<16x20480xf32, #tpu.memory_space<vmem_shared>> -> memref<1x1280xf32, #tpu.memory_space<vmem_shared>>
      %dma_start3A_31 = tpu.memref_squeeze %dma_start3A_30 : memref<1x1280xf32, #tpu.memory_space<vmem_shared>> -> memref<1280xf32, #tpu.memory_space<vmem_shared>>
      tpu.enqueue_dma source(%dma_start3A_31 : memref<1280xf32, #tpu.memory_space<vmem_shared>>) target(%arg14 : memref<1280xf32, #tpu.memory_space<vmem>>) target_semaphore(%run_scoped3A_28 : memref<!tpu.dma_semaphore, #tpu.memory_space<semaphore_mem>>)
      %dma_wait3A = tpu.memref_slice %arg16[%run_scoped3A, %mul3A_18] : memref<16x20480xf32, #tpu.memory_space<vmem_shared>> -> memref<1x1280xf32, #tpu.memory_space<vmem_shared>>
      %dma_wait3A_32 = tpu.memref_squeeze %dma_wait3A : memref<1x1280xf32, #tpu.memory_space<vmem_shared>> -> memref<1280xf32, #tpu.memory_space<vmem_shared>>
      %dma_wait3A_33 = tpu.memref_slice %arg16[%run_scoped3A, %mul3A_18] : memref<16x20480xf32, #tpu.memory_space<vmem_shared>> -> memref<1x1280xf32, #tpu.memory_space<vmem_shared>>
      %dma_wait3A_34 = tpu.memref_squeeze %dma_wait3A_33 : memref<1x1280xf32, #tpu.memory_space<vmem_shared>> -> memref<1280xf32, #tpu.memory_space<vmem_shared>>
      tpu.wait_dma2 semaphore(%run_scoped3A_28 : memref<!tpu.dma_semaphore, #tpu.memory_space<semaphore_mem>>) src(%dma_wait3A_34 : memref<1280xf32, #tpu.memory_space<vmem_shared>>) dst(%arg14 : memref<1280xf32, #tpu.memory_space<vmem>>)
      tpu.yield
    }) : () -> ()
    %scan3A_19 = arith.constant 0 : i32
    %scan3A_20 = arith.constant 1 : i32
    %scan3A_21 = arith.constant 15 : i32
    %scan3A_22 = arith.addi %scan3A_20, %scan3A_21 : i32
    %scan3A_23 = arith.constant 1 : i32
    %scan3A_24 = scf.for %scan3A_28 = %scan3A_20 to %scan3A_22 step %scan3A_23 iter_args(%scan3A_29 = %scan3A_19) -> (i32)  : i32 {
      %mul3A_30 = arith.constant 1280 : i32
      %mul3A_31 = arith.muli %arg1, %mul3A_30 : i32
      "tpu.region"() ({
        %run_scoped3A_40 = tpu.sem_alloc : memref<!tpu.dma_semaphore, #tpu.memory_space<semaphore_mem>>
        %dma_start3A = tpu.memref_slice %arg16[%scan3A_28, %mul3A_31] : memref<16x20480xf32, #tpu.memory_space<vmem_shared>> -> memref<1x1280xf32, #tpu.memory_space<vmem_shared>>
        %dma_start3A_41 = tpu.memref_squeeze %dma_start3A : memref<1x1280xf32, #tpu.memory_space<vmem_shared>> -> memref<1280xf32, #tpu.memory_space<vmem_shared>>
        %dma_start3A_42 = tpu.memref_slice %arg16[%scan3A_28, %mul3A_31] : memref<16x20480xf32, #tpu.memory_space<vmem_shared>> -> memref<1x1280xf32, #tpu.memory_space<vmem_shared>>
        %dma_start3A_43 = tpu.memref_squeeze %dma_start3A_42 : memref<1x1280xf32, #tpu.memory_space<vmem_shared>> -> memref<1280xf32, #tpu.memory_space<vmem_shared>>
        tpu.enqueue_dma source(%dma_start3A_43 : memref<1280xf32, #tpu.memory_space<vmem_shared>>) target(%arg15 : memref<1280xf32, #tpu.memory_space<vmem>>) target_semaphore(%run_scoped3A_40 : memref<!tpu.dma_semaphore, #tpu.memory_space<semaphore_mem>>)
        %dma_wait3A = tpu.memref_slice %arg16[%scan3A_28, %mul3A_31] : memref<16x20480xf32, #tpu.memory_space<vmem_shared>> -> memref<1x1280xf32, #tpu.memory_space<vmem_shared>>
        %dma_wait3A_44 = tpu.memref_squeeze %dma_wait3A : memref<1x1280xf32, #tpu.memory_space<vmem_shared>> -> memref<1280xf32, #tpu.memory_space<vmem_shared>>
        %dma_wait3A_45 = tpu.memref_slice %arg16[%scan3A_28, %mul3A_31] : memref<16x20480xf32, #tpu.memory_space<vmem_shared>> -> memref<1x1280xf32, #tpu.memory_space<vmem_shared>>
        %dma_wait3A_46 = tpu.memref_squeeze %dma_wait3A_45 : memref<1x1280xf32, #tpu.memory_space<vmem_shared>> -> memref<1280xf32, #tpu.memory_space<vmem_shared>>
        tpu.wait_dma2 semaphore(%run_scoped3A_40 : memref<!tpu.dma_semaphore, #tpu.memory_space<semaphore_mem>>) src(%dma_wait3A_46 : memref<1280xf32, #tpu.memory_space<vmem_shared>>) dst(%arg15 : memref<1280xf32, #tpu.memory_space<vmem>>)
        tpu.yield
      }) : () -> ()
      %scan3A_32 = arith.constant 0 : i32
      %scan3A_33 = arith.constant 0 : i32
      %scan3A_34 = arith.constant 20 : i32
      %scan3A_35 = arith.addi %scan3A_33, %scan3A_34 : i32
      %scan3A_36 = arith.constant 1 : i32
      %scan3A_37 = scf.for %scan3A_40 = %scan3A_33 to %scan3A_35 step %scan3A_36 iter_args(%scan3A_41 = %scan3A_32) -> (i32)  : i32 {
        %mul3A_42 = arith.constant 4 : i32
        %mul3A_43 = arith.muli %scan3A_40, %mul3A_42 : i32
        %add3A_44 = arith.constant 0 : i32
        %add3A_45 = arith.addi %mul3A_43, %add3A_44 : i32
        %mul3A_46 = arith.constant 16 : i32
        %mul3A_47 = arith.muli %add3A_45, %mul3A_46 : i32
        %get3A = arith.index_cast %mul3A_47 : i32 to index
        %get3A_48 = tpu.vector_load %arg14[%get3A] {strides = array<i32>} : memref<1280xf32, #tpu.memory_space<vmem>>, vector<16xf32>,
        %get3A_49 = arith.index_cast %mul3A_47 : i32 to index
        %get3A_50 = tpu.vector_load %arg15[%get3A_49] {strides = array<i32>} : memref<1280xf32, #tpu.memory_space<vmem>>, vector<16xf32>,
        %add3A_51 = arith.addf %get3A_48, %get3A_50 : vector<16xf32>
        %swap3A = arith.index_cast %mul3A_47 : i32 to index
        %swap3A_52 = tpu.vector_load %arg14[%swap3A] {strides = array<i32>} : memref<1280xf32, #tpu.memory_space<vmem>>, vector<16xf32>,
        tpu.vector_store %arg14[%swap3A], %add3A_51 {strides = array<i32>} : memref<1280xf32, #tpu.memory_space<vmem>>, vector<16xf32>,
        %mul3A_53 = arith.constant 4 : i32
        %mul3A_54 = arith.muli %scan3A_40, %mul3A_53 : i32
        %add3A_55 = arith.constant 1 : i32
        %add3A_56 = arith.addi %mul3A_54, %add3A_55 : i32
        %mul3A_57 = arith.constant 16 : i32
        %mul3A_58 = arith.muli %add3A_56, %mul3A_57 : i32
        %get3A_59 = arith.index_cast %mul3A_58 : i32 to index
        %get3A_60 = tpu.vector_load %arg14[%get3A_59] {strides = array<i32>} : memref<1280xf32, #tpu.memory_space<vmem>>, vector<16xf32>,
        %get3A_61 = arith.index_cast %mul3A_58 : i32 to index
        %get3A_62 = tpu.vector_load %arg15[%get3A_61] {strides = array<i32>} : memref<1280xf32, #tpu.memory_space<vmem>>, vector<16xf32>,
        %add3A_63 = arith.addf %get3A_60, %get3A_62 : vector<16xf32>
        %swap3A_64 = arith.index_cast %mul3A_58 : i32 to index
        %swap3A_65 = tpu.vector_load %arg14[%swap3A_64] {strides = array<i32>} : memref<1280xf32, #tpu.memory_space<vmem>>, vector<16xf32>,
        tpu.vector_store %arg14[%swap3A_64], %add3A_63 {strides = array<i32>} : memref<1280xf32, #tpu.memory_space<vmem>>, vector<16xf32>,
        %mul3A_66 = arith.constant 4 : i32
        %mul3A_67 = arith.muli %scan3A_40, %mul3A_66 : i32
        %add3A_68 = arith.constant 2 : i32
        %add3A_69 = arith.addi %mul3A_67, %add3A_68 : i32
        %mul3A_70 = arith.constant 16 : i32
        %mul3A_71 = arith.muli %add3A_69, %mul3A_70 : i32
        %get3A_72 = arith.index_cast %mul3A_71 : i32 to index
        %get3A_73 = tpu.vector_load %arg14[%get3A_72] {strides = array<i32>} : memref<1280xf32, #tpu.memory_space<vmem>>, vector<16xf32>,
        %get3A_74 = arith.index_cast %mul3A_71 : i32 to index
        %get3A_75 = tpu.vector_load %arg15[%get3A_74] {strides = array<i32>} : memref<1280xf32, #tpu.memory_space<vmem>>, vector<16xf32>,
        %add3A_76 = arith.addf %get3A_73, %get3A_75 : vector<16xf32>
        %swap3A_77 = arith.index_cast %mul3A_71 : i32 to index
        %swap3A_78 = tpu.vector_load %arg14[%swap3A_77] {strides = array<i32>} : memref<1280xf32, #tpu.memory_space<vmem>>, vector<16xf32>,
        tpu.vector_store %arg14[%swap3A_77], %add3A_76 {strides = array<i32>} : memref<1280xf32, #tpu.memory_space<vmem>>, vector<16xf32>,
        %mul3A_79 = arith.constant 4 : i32
        %mul3A_80 = arith.muli %scan3A_40, %mul3A_79 : i32
        %add3A_81 = arith.constant 3 : i32
        %add3A_82 = arith.addi %mul3A_80, %add3A_81 : i32
        %mul3A_83 = arith.constant 16 : i32
        %mul3A_84 = arith.muli %add3A_82, %mul3A_83 : i32
        %get3A_85 = arith.index_cast %mul3A_84 : i32 to index
        %get3A_86 = tpu.vector_load %arg14[%get3A_85] {strides = array<i32>} : memref<1280xf32, #tpu.memory_space<vmem>>, vector<16xf32>,
        %get3A_87 = arith.index_cast %mul3A_84 : i32 to index
        %get3A_88 = tpu.vector_load %arg15[%get3A_87] {strides = array<i32>} : memref<1280xf32, #tpu.memory_space<vmem>>, vector<16xf32>,
        %add3A_89 = arith.addf %get3A_86, %get3A_88 : vector<16xf32>
        %swap3A_90 = arith.index_cast %mul3A_84 : i32 to index
        %swap3A_91 = tpu.vector_load %arg14[%swap3A_90] {strides = array<i32>} : memref<1280xf32, #tpu.memory_space<vmem>>, vector<16xf32>,
        tpu.vector_store %arg14[%swap3A_90], %add3A_89 {strides = array<i32>} : memref<1280xf32, #tpu.memory_space<vmem>>, vector<16xf32>,
        %scan3A_92 = arith.constant 0 : i32
        scf.yield %scan3A_92 : i32
      }
      %scan3A_38 = arith.constant 20 : i32
      %scan3A_39 = arith.constant 0 : i32
      scf.yield %scan3A_39 : i32
    }
    %scan3A_25 = arith.constant 15 : i32
    %mul3A_26 = arith.constant 1280 : i32
    %mul3A_27 = arith.muli %arg1, %mul3A_26 : i32
    "tpu.region"() ({
      %run_scoped3A_28 = tpu.sem_alloc : memref<!tpu.dma_semaphore, #tpu.memory_space<semaphore_mem>>
      %dma_start3A = tpu.memref_slice %arg7[%arg0, %mul3A_27] : memref<2x20480xf32, #tpu.memory_space<hbm>> -> memref<1x1280xf32, #tpu.memory_space<hbm>>
      %dma_start3A_29 = tpu.memref_squeeze %dma_start3A : memref<1x1280xf32, #tpu.memory_space<hbm>> -> memref<1280xf32, #tpu.memory_space<hbm>>
      %dma_start3A_30 = tpu.memref_slice %arg7[%arg0, %mul3A_27] : memref<2x20480xf32, #tpu.memory_space<hbm>> -> memref<1x1280xf32, #tpu.memory_space<hbm>>
      %dma_start3A_31 = tpu.memref_squeeze %dma_start3A_30 : memref<1x1280xf32, #tpu.memory_space<hbm>> -> memref<1280xf32, #tpu.memory_space<hbm>>
      tpu.enqueue_dma source(%arg14 : memref<1280xf32, #tpu.memory_space<vmem>>) target(%dma_start3A_31 : memref<1280xf32, #tpu.memory_space<hbm>>) target_semaphore(%run_scoped3A_28 : memref<!tpu.dma_semaphore, #tpu.memory_space<semaphore_mem>>)
      %dma_wait3A = tpu.memref_slice %arg7[%arg0, %mul3A_27] : memref<2x20480xf32, #tpu.memory_space<hbm>> -> memref<1x1280xf32, #tpu.memory_space<hbm>>
      %dma_wait3A_32 = tpu.memref_squeeze %dma_wait3A : memref<1x1280xf32, #tpu.memory_space<hbm>> -> memref<1280xf32, #tpu.memory_space<hbm>>
      %dma_wait3A_33 = tpu.memref_slice %arg7[%arg0, %mul3A_27] : memref<2x20480xf32, #tpu.memory_space<hbm>> -> memref<1x1280xf32, #tpu.memory_space<hbm>>
      %dma_wait3A_34 = tpu.memref_squeeze %dma_wait3A_33 : memref<1x1280xf32, #tpu.memory_space<hbm>> -> memref<1280xf32, #tpu.memory_space<hbm>>
      tpu.wait_dma2 semaphore(%run_scoped3A_28 : memref<!tpu.dma_semaphore, #tpu.memory_space<semaphore_mem>>) src(%arg14 : memref<1280xf32, #tpu.memory_space<vmem>>) dst(%dma_wait3A_34 : memref<1280xf32, #tpu.memory_space<hbm>>)
      tpu.yield
    }) : () -> ()
    return
  }
}

module attributes {stable_mosaic.version = 14 : i64} {
  func.func @_counts_body(%arg0: memref<1x10240xi32, #tpu.memory_space<vmem>>, %arg1: memref<1x10240xf32, #tpu.memory_space<vmem>>) attributes {dimension_semantics = [], scalar_prefetch = 0 : i64, scratch_operands = 0 : i64, tpu.core_type = #tpu.core_type<tc>} {
    %get3A = arith.constant 0 : index
    %get3A_0 = arith.constant 0 : index
    %get3A_1 = vector.load %arg0[%get3A, %get3A_0] : memref<1x10240xi32, #tpu.memory_space<vmem>>, vector<1x10240xi32>
    %iota3A = tpu.iota {dimensions = array<i32: 0>} : vector<64x1xi32>
    %eq3A = vector.broadcast %get3A_1 : vector<1x10240xi32> to vector<64x10240xi32>
    %eq3A_2 = vector.broadcast %iota3A : vector<64x1xi32> to vector<64x10240xi32>
    %eq3A_3 = arith.cmpi eq, %eq3A, %eq3A_2 : vector<64x10240xi32>
    %convert_element_type3A = arith.extui %eq3A_3 : vector<64x10240xi1> to vector<64x10240xi32>
    %convert_element_type3A_4 = arith.sitofp %convert_element_type3A : vector<64x10240xi32> to vector<64x10240xf32>
    %broadcast_in_dim3A = arith.constant 1.000000e+00 : f32
    %broadcast_in_dim3A_5 = vector.broadcast %broadcast_in_dim3A : f32 to vector<1x10240xf32>
    %dot_general3A = arith.constant dense<0.000000e+00> : vector<1x64xf32>
    %dot_general3A_6 = tpu.matmul %broadcast_in_dim3A_5, %convert_element_type3A_4, %dot_general3A {dimension_numbers = #tpu.dot_dimension_numbers<[1], [1], [0], [0], [0, 0, 1, 0], [], []>, precision = #tpu.contract_precision<fp32>, transpose_lhs_hint = false} : vector<1x10240xf32>, vector<64x10240xf32>, vector<1x64xf32> -> vector<1x64xf32>
    %dot_general3A_7 = arith.constant dense<0.000000e+00> : vector<1x10240xf32>
    %dot_general3A_8 = tpu.matmul %dot_general3A_6, %convert_element_type3A_4, %dot_general3A_7 {dimension_numbers = #tpu.dot_dimension_numbers<[1], [0], [0], [1], [0, 0, 1, 1], [], []>, precision = #tpu.contract_precision<fp32>, transpose_lhs_hint = false} : vector<1x64xf32>, vector<64x10240xf32>, vector<1x10240xf32> -> vector<1x10240xf32>
    %max3A = arith.constant 1.000000e+00 : f32
    %max3A_9 = vector.broadcast %max3A : f32 to vector<1x10240xf32>
    %max3A_10 = arith.maximumf %dot_general3A_8, %max3A_9 : vector<1x10240xf32>
    %rsqrt3A = math.rsqrt %max3A_10 : vector<1x10240xf32>
    %swap3A = arith.constant 0 : index
    %swap3A_11 = arith.constant 0 : index
    %swap3A_12 = vector.load %arg1[%swap3A, %swap3A_11] : memref<1x10240xf32, #tpu.memory_space<vmem>>, vector<1x10240xf32>
    tpu.vector_store %arg1[%swap3A, %swap3A_11], %rsqrt3A {strides = array<i32>} : memref<1x10240xf32, #tpu.memory_space<vmem>>, vector<1x10240xf32>,
    return
  }
}

module attributes {stable_mosaic.version = 14 : i64} {
  func.func @_repulse_body(%arg0: i32, %arg1: memref<400x1xf32, #tpu.memory_space<vmem>>, %arg2: memref<400x1xf32, #tpu.memory_space<vmem>>, %arg3: memref<400x1xi32, #tpu.memory_space<vmem>>, %arg4: memref<1x10240xf32, #tpu.memory_space<vmem>>, %arg5: memref<1x10240xf32, #tpu.memory_space<vmem>>, %arg6: memref<1x10240xi32, #tpu.memory_space<vmem>>, %arg7: memref<400x1xf32, #tpu.memory_space<vmem>>, %arg8: memref<400x1xf32, #tpu.memory_space<vmem>>) attributes {dimension_semantics = [#tpu.dimension_semantics<arbitrary>], iteration_bounds = array<i64: 25>, scalar_prefetch = 0 : i64, scratch_operands = 0 : i64, tpu.core_type = #tpu.core_type<tc>, window_params = [{transform_indices = @transform_0, window_bounds = array<i64: 400, 1>}, {transform_indices = @transform_1, window_bounds = array<i64: 400, 1>}, {transform_indices = @transform_2, window_bounds = array<i64: 400, 1>}, {pipeline_mode = #tpu.pipeline_mode<synchronous>, transform_indices = @transform_3, window_bounds = array<i64: 1, 10240>}, {pipeline_mode = #tpu.pipeline_mode<synchronous>, transform_indices = @transform_4, window_bounds = array<i64: 1, 10240>}, {pipeline_mode = #tpu.pipeline_mode<synchronous>, transform_indices = @transform_5, window_bounds = array<i64: 1, 10240>}, {transform_indices = @transform_6, window_bounds = array<i64: 400, 1>}, {transform_indices = @transform_7, window_bounds = array<i64: 400, 1>}]} {
    %get3A = arith.constant 0 : index
    %get3A_0 = arith.constant 0 : index
    %get3A_1 = vector.load %arg3[%get3A, %get3A_0] : memref<400x1xi32, #tpu.memory_space<vmem>>, vector<400x1xi32>
    %get3A_2 = arith.constant 0 : index
    %get3A_3 = arith.constant 0 : index
    %get3A_4 = vector.load %arg6[%get3A_2, %get3A_3] : memref<1x10240xi32, #tpu.memory_space<vmem>>, vector<1x10240xi32>
    %reduce_min3A = vector.shape_cast %get3A_1 : vector<400x1xi32> to vector<1x400x1xi32>
    %reduce_min3A_5 = arith.constant dense<2147483647> : vector<1xi32>
    %reduce_min3A_6 = vector.multi_reduction <minsi>, %reduce_min3A, %reduce_min3A_5 [1, 2] : vector<1x400x1xi32> to vector<1xi32>
    %reduce_min3A_7 = vector.shape_cast %reduce_min3A_6 : vector<1xi32> to vector<1x1x1xi32>
    %reduce_min3A_8 = vector.extract %reduce_min3A_7[0, 0, 0] : i32 from vector<1x1x1xi32>
    %reduce_max3A = vector.shape_cast %get3A_1 : vector<400x1xi32> to vector<1x400x1xi32>
    %reduce_max3A_9 = arith.constant dense<-2147483648> : vector<1xi32>
    %reduce_max3A_10 = vector.multi_reduction <maxsi>, %reduce_max3A, %reduce_max3A_9 [1, 2] : vector<1x400x1xi32> to vector<1xi32>
    %reduce_max3A_11 = vector.shape_cast %reduce_max3A_10 : vector<1xi32> to vector<1x1x1xi32>
    %reduce_max3A_12 = vector.extract %reduce_max3A_11[0, 0, 0] : i32 from vector<1x1x1xi32>
    %lt3A = vector.broadcast %reduce_min3A_8 : i32 to vector<1x10240xi32>
    %lt3A_13 = arith.cmpi slt, %get3A_4, %lt3A : vector<1x10240xi32>
    %convert_element_type3A = arith.extui %lt3A_13 : vector<1x10240xi1> to vector<1x10240xi32>
    %reduce_sum3A = vector.shape_cast %convert_element_type3A : vector<1x10240xi32> to vector<1x1x10240xi32>
    %reduce_sum3A_14 = arith.constant dense<0> : vector<1xi32>
    %reduce_sum3A_15 = vector.multi_reduction <add>, %reduce_sum3A, %reduce_sum3A_14 [1, 2] : vector<1x1x10240xi32> to vector<1xi32>
    %reduce_sum3A_16 = vector.shape_cast %reduce_sum3A_15 : vector<1xi32> to vector<1x1x1xi32>
    %reduce_sum3A_17 = vector.extract %reduce_sum3A_16[0, 0, 0] : i32 from vector<1x1x1xi32>
    %le3A = vector.broadcast %reduce_max3A_12 : i32 to vector<1x10240xi32>
    %le3A_18 = arith.cmpi sle, %get3A_4, %le3A : vector<1x10240xi32>
    %convert_element_type3A_19 = arith.extui %le3A_18 : vector<1x10240xi1> to vector<1x10240xi32>
    %reduce_sum3A_20 = vector.shape_cast %convert_element_type3A_19 : vector<1x10240xi32> to vector<1x1x10240xi32>
    %reduce_sum3A_21 = arith.constant dense<0> : vector<1xi32>
    %reduce_sum3A_22 = vector.multi_reduction <add>, %reduce_sum3A_20, %reduce_sum3A_21 [1, 2] : vector<1x1x10240xi32> to vector<1xi32>
    %reduce_sum3A_23 = vector.shape_cast %reduce_sum3A_22 : vector<1xi32> to vector<1x1x1xi32>
    %reduce_sum3A_24 = vector.extract %reduce_sum3A_23[0, 0, 0] : i32 from vector<1x1x1xi32>
    %jit3A = arith.constant 512 : i32
    %div3A = arith.divsi %reduce_sum3A_17, %jit3A : i32
    %sign3A = arith.constant 0 : i32
    %sign3A_25 = arith.cmpi sgt, %reduce_sum3A_17, %sign3A : i32
    %sign3A_26 = arith.extui %sign3A_25 : i1 to i32
    %sign3A_27 = arith.constant 0 : i32
    %sign3A_28 = arith.cmpi slt, %reduce_sum3A_17, %sign3A_27 : i32
    %sign3A_29 = arith.extui %sign3A_28 : i1 to i32
    %sign3A_30 = arith.subi %sign3A_26, %sign3A_29 : i32
    %sign3A_31 = arith.constant 0 : i32
    %sign3A_32 = arith.cmpi sgt, %jit3A, %sign3A_31 : i32
    %sign3A_33 = arith.extui %sign3A_32 : i1 to i32
    %sign3A_34 = arith.constant 0 : i32
    %sign3A_35 = arith.cmpi slt, %jit3A, %sign3A_34 : i32
    %sign3A_36 = arith.extui %sign3A_35 : i1 to i32
    %sign3A_37 = arith.subi %sign3A_33, %sign3A_36 : i32
    %ne3A = arith.cmpi ne, %sign3A_30, %sign3A_37 : i32
    %rem3A = arith.remsi %reduce_sum3A_17, %jit3A : i32
    %ne3A_38 = arith.constant 0 : i32
    %ne3A_39 = arith.cmpi ne, %rem3A, %ne3A_38 : i32
    %and3A = arith.andi %ne3A, %ne3A_39 : i1
    %sub3A = arith.constant 1 : i32
    %sub3A_40 = arith.subi %div3A, %sub3A : i32
    %select_n3A = arith.select %and3A, %sub3A_40, %div3A : i32
    %add3A = arith.constant 512 : i32
    %add3A_41 = arith.addi %reduce_sum3A_24, %add3A : i32
    %sub3A_42 = arith.constant 1 : i32
    %sub3A_43 = arith.subi %add3A_41, %sub3A_42 : i32
    %jit3A_44 = arith.constant 512 : i32
    %div3A_45 = arith.divsi %sub3A_43, %jit3A_44 : i32
    %sign3A_46 = arith.constant 0 : i32
    %sign3A_47 = arith.cmpi sgt, %sub3A_43, %sign3A_46 : i32
    %sign3A_48 = arith.extui %sign3A_47 : i1 to i32
    %sign3A_49 = arith.constant 0 : i32
    %sign3A_50 = arith.cmpi slt, %sub3A_43, %sign3A_49 : i32
    %sign3A_51 = arith.extui %sign3A_50 : i1 to i32
    %sign3A_52 = arith.subi %sign3A_48, %sign3A_51 : i32
    %sign3A_53 = arith.constant 0 : i32
    %sign3A_54 = arith.cmpi sgt, %jit3A_44, %sign3A_53 : i32
    %sign3A_55 = arith.extui %sign3A_54 : i1 to i32
    %sign3A_56 = arith.constant 0 : i32
    %sign3A_57 = arith.cmpi slt, %jit3A_44, %sign3A_56 : i32
    %sign3A_58 = arith.extui %sign3A_57 : i1 to i32
    %sign3A_59 = arith.subi %sign3A_55, %sign3A_58 : i32
    %ne3A_60 = arith.cmpi ne, %sign3A_52, %sign3A_59 : i32
    %rem3A_61 = arith.remsi %sub3A_43, %jit3A_44 : i32
    %ne3A_62 = arith.constant 0 : i32
    %ne3A_63 = arith.cmpi ne, %rem3A_61, %ne3A_62 : i32
    %and3A_64 = arith.andi %ne3A_60, %ne3A_63 : i1
    %sub3A_65 = arith.constant 1 : i32
    %sub3A_66 = arith.subi %div3A_45, %sub3A_65 : i32
    %select_n3A_67 = arith.select %and3A_64, %sub3A_66, %div3A_45 : i32
    %get3A_68 = arith.constant 0 : index
    %get3A_69 = arith.constant 0 : index
    %get3A_70 = vector.load %arg1[%get3A_68, %get3A_69] : memref<400x1xf32, #tpu.memory_space<vmem>>, vector<400x1xf32>
    %get3A_71 = arith.constant 0 : index
    %get3A_72 = arith.constant 0 : index
    %get3A_73 = vector.load %arg2[%get3A_71, %get3A_72] : memref<400x1xf32, #tpu.memory_space<vmem>>, vector<400x1xf32>
    %broadcast_in_dim3A = arith.constant 0.000000e+00 : f32
    %broadcast_in_dim3A_74 = vector.broadcast %broadcast_in_dim3A : f32 to vector<400x1xf32>
    %while3A = arith.subi %select_n3A_67, %select_n3A : i32
    %while3A_75 = arith.addi %select_n3A, %while3A : i32
    %while3A_76 = arith.constant 1 : i32
    %while3A_77 = arith.divsi %while3A, %while3A_76 : i32
    %while3A_78 = arith.muli %while3A_77, %while3A_76 : i32
    %while3A_79 = arith.addi %select_n3A, %while3A_78 : i32
    %while3A_80 = arith.constant 1 : i32
    %while3A_81:3 = scf.for %while3A_95 = %select_n3A to %while3A_79 step %while3A_80 iter_args(%while3A_96 = %broadcast_in_dim3A_74, %while3A_97 = %broadcast_in_dim3A_74, %while3A_98 = %broadcast_in_dim3A_74) -> (vector<400x1xf32>, vector<400x1xf32>, vector<400x1xf32>)  : i32 {
      %mul3A_99 = arith.constant 512 : i32
      %mul3A_100 = arith.muli %while3A_95, %mul3A_99 : i32
      %get3A_101 = arith.constant 0 : index
      %get3A_102 = arith.index_cast %mul3A_100 : i32 to index
      %get3A_103 = vector.load %arg4[%get3A_101, %get3A_102] : memref<1x10240xf32, #tpu.memory_space<vmem>>, vector<1x512xf32>
      %get3A_104 = vector.shape_cast %get3A_103 : vector<1x512xf32> to vector<512xf32>
      %broadcast_in_dim3A_105 = vector.shape_cast %get3A_104 : vector<512xf32> to vector<1x512xf32>
      %get3A_106 = arith.constant 0 : index
      %get3A_107 = arith.index_cast %mul3A_100 : i32 to index
      %get3A_108 = vector.load %arg5[%get3A_106, %get3A_107] : memref<1x10240xf32, #tpu.memory_space<vmem>>, vector<1x512xf32>
      %get3A_109 = vector.shape_cast %get3A_108 : vector<1x512xf32> to vector<512xf32>
      %broadcast_in_dim3A_110 = vector.shape_cast %get3A_109 : vector<512xf32> to vector<1x512xf32>
      %get3A_111 = arith.constant 0 : index
      %get3A_112 = arith.index_cast %mul3A_100 : i32 to index
      %get3A_113 = vector.load %arg6[%get3A_111, %get3A_112] : memref<1x10240xi32, #tpu.memory_space<vmem>>, vector<1x512xi32>
      %get3A_114 = vector.shape_cast %get3A_113 : vector<1x512xi32> to vector<512xi32>
      %broadcast_in_dim3A_115 = vector.shape_cast %get3A_114 : vector<512xi32> to vector<1x512xi32>
      %sub3A_116 = vector.broadcast %get3A_70 : vector<400x1xf32> to vector<400x512xf32>
      %sub3A_117 = vector.broadcast %broadcast_in_dim3A_105 : vector<1x512xf32> to vector<400x512xf32>
      %sub3A_118 = arith.subf %sub3A_116, %sub3A_117 : vector<400x512xf32>
      %sub3A_119 = vector.broadcast %get3A_73 : vector<400x1xf32> to vector<400x512xf32>
      %sub3A_120 = vector.broadcast %broadcast_in_dim3A_110 : vector<1x512xf32> to vector<400x512xf32>
      %sub3A_121 = arith.subf %sub3A_119, %sub3A_120 : vector<400x512xf32>
      %mul3A_122 = arith.mulf %sub3A_118, %sub3A_118 : vector<400x512xf32>
      %mul3A_123 = arith.mulf %sub3A_121, %sub3A_121 : vector<400x512xf32>
      %add3A_124 = arith.addf %mul3A_122, %mul3A_123 : vector<400x512xf32>
      %sqrt3A = math.sqrt %add3A_124 : vector<400x512xf32>
      %add3A_125 = arith.constant 0.00999999977 : f32
      %add3A_126 = vector.broadcast %add3A_125 : f32 to vector<400x512xf32>
      %add3A_127 = arith.addf %sqrt3A, %add3A_126 : vector<400x512xf32>
      %div3A_128 = arith.constant 1.000000e+00 : f32
      %div3A_129 = vector.broadcast %div3A_128 : f32 to vector<400x512xf32>
      %div3A_130 = arith.divf %div3A_129, %add3A_127 : vector<400x512xf32>
      %eq3A = vector.broadcast %broadcast_in_dim3A_115 : vector<1x512xi32> to vector<400x512xi32>
      %eq3A_131 = vector.broadcast %get3A_1 : vector<400x1xi32> to vector<400x512xi32>
      %eq3A_132 = arith.cmpi eq, %eq3A, %eq3A_131 : vector<400x512xi32>
      %convert_element_type3A_133 = arith.extui %eq3A_132 : vector<400x512xi1> to vector<400x512xi32>
      %convert_element_type3A_134 = arith.sitofp %convert_element_type3A_133 : vector<400x512xi32> to vector<400x512xf32>
      %mul3A_135 = arith.mulf %div3A_130, %div3A_130 : vector<400x512xf32>
      %mul3A_136 = arith.mulf %mul3A_135, %convert_element_type3A_134 : vector<400x512xf32>
      %mul3A_137 = arith.mulf %sub3A_118, %mul3A_136 : vector<400x512xf32>
      %reduce_sum3A_138 = arith.constant dense<0.000000e+00> : vector<400xf32>
      %reduce_sum3A_139 = vector.multi_reduction <add>, %mul3A_137, %reduce_sum3A_138 [1] : vector<400x512xf32> to vector<400xf32>
      %broadcast_in_dim3A_140 = vector.shape_cast %reduce_sum3A_139 : vector<400xf32> to vector<400x1xf32>
      %add3A_141 = arith.addf %while3A_96, %broadcast_in_dim3A_140 : vector<400x1xf32>
      %mul3A_142 = arith.mulf %sub3A_121, %mul3A_136 : vector<400x512xf32>
      %reduce_sum3A_143 = arith.constant dense<0.000000e+00> : vector<400xf32>
      %reduce_sum3A_144 = vector.multi_reduction <add>, %mul3A_142, %reduce_sum3A_143 [1] : vector<400x512xf32> to vector<400xf32>
      %broadcast_in_dim3A_145 = vector.shape_cast %reduce_sum3A_144 : vector<400xf32> to vector<400x1xf32>
      %add3A_146 = arith.addf %while3A_97, %broadcast_in_dim3A_145 : vector<400x1xf32>
      %reduce_sum3A_147 = arith.constant dense<0.000000e+00> : vector<400xf32>
      %reduce_sum3A_148 = vector.multi_reduction <add>, %convert_element_type3A_134, %reduce_sum3A_147 [1] : vector<400x512xf32> to vector<400xf32>
      %broadcast_in_dim3A_149 = vector.shape_cast %reduce_sum3A_148 : vector<400xf32> to vector<400x1xf32>
      %add3A_150 = arith.addf %while3A_98, %broadcast_in_dim3A_149 : vector<400x1xf32>
      scf.yield %add3A_141, %add3A_146, %add3A_150 : vector<400x1xf32>, vector<400x1xf32>, vector<400x1xf32>
    }
    %while3A_82 = arith.constant 1 : i32
    %while3A_83:3 = scf.for %while3A_95 = %while3A_79 to %while3A_75 step %while3A_82 iter_args(%while3A_96 = %while3A_81#0, %while3A_97 = %while3A_81#1, %while3A_98 = %while3A_81#2) -> (vector<400x1xf32>, vector<400x1xf32>, vector<400x1xf32>)  : i32 {
      %mul3A_99 = arith.constant 512 : i32
      %mul3A_100 = arith.muli %while3A_95, %mul3A_99 : i32
      %get3A_101 = arith.constant 0 : index
      %get3A_102 = arith.index_cast %mul3A_100 : i32 to index
      %get3A_103 = vector.load %arg4[%get3A_101, %get3A_102] : memref<1x10240xf32, #tpu.memory_space<vmem>>, vector<1x512xf32>
      %get3A_104 = vector.shape_cast %get3A_103 : vector<1x512xf32> to vector<512xf32>
      %broadcast_in_dim3A_105 = vector.shape_cast %get3A_104 : vector<512xf32> to vector<1x512xf32>
      %get3A_106 = arith.constant 0 : index
      %get3A_107 = arith.index_cast %mul3A_100 : i32 to index
      %get3A_108 = vector.load %arg5[%get3A_106, %get3A_107] : memref<1x10240xf32, #tpu.memory_space<vmem>>, vector<1x512xf32>
      %get3A_109 = vector.shape_cast %get3A_108 : vector<1x512xf32> to vector<512xf32>
      %broadcast_in_dim3A_110 = vector.shape_cast %get3A_109 : vector<512xf32> to vector<1x512xf32>
      %get3A_111 = arith.constant 0 : index
      %get3A_112 = arith.index_cast %mul3A_100 : i32 to index
      %get3A_113 = vector.load %arg6[%get3A_111, %get3A_112] : memref<1x10240xi32, #tpu.memory_space<vmem>>, vector<1x512xi32>
      %get3A_114 = vector.shape_cast %get3A_113 : vector<1x512xi32> to vector<512xi32>
      %broadcast_in_dim3A_115 = vector.shape_cast %get3A_114 : vector<512xi32> to vector<1x512xi32>
      %sub3A_116 = vector.broadcast %get3A_70 : vector<400x1xf32> to vector<400x512xf32>
      %sub3A_117 = vector.broadcast %broadcast_in_dim3A_105 : vector<1x512xf32> to vector<400x512xf32>
      %sub3A_118 = arith.subf %sub3A_116, %sub3A_117 : vector<400x512xf32>
      %sub3A_119 = vector.broadcast %get3A_73 : vector<400x1xf32> to vector<400x512xf32>
      %sub3A_120 = vector.broadcast %broadcast_in_dim3A_110 : vector<1x512xf32> to vector<400x512xf32>
      %sub3A_121 = arith.subf %sub3A_119, %sub3A_120 : vector<400x512xf32>
      %mul3A_122 = arith.mulf %sub3A_118, %sub3A_118 : vector<400x512xf32>
      %mul3A_123 = arith.mulf %sub3A_121, %sub3A_121 : vector<400x512xf32>
      %add3A_124 = arith.addf %mul3A_122, %mul3A_123 : vector<400x512xf32>
      %sqrt3A = math.sqrt %add3A_124 : vector<400x512xf32>
      %add3A_125 = arith.constant 0.00999999977 : f32
      %add3A_126 = vector.broadcast %add3A_125 : f32 to vector<400x512xf32>
      %add3A_127 = arith.addf %sqrt3A, %add3A_126 : vector<400x512xf32>
      %div3A_128 = arith.constant 1.000000e+00 : f32
      %div3A_129 = vector.broadcast %div3A_128 : f32 to vector<400x512xf32>
      %div3A_130 = arith.divf %div3A_129, %add3A_127 : vector<400x512xf32>
      %eq3A = vector.broadcast %broadcast_in_dim3A_115 : vector<1x512xi32> to vector<400x512xi32>
      %eq3A_131 = vector.broadcast %get3A_1 : vector<400x1xi32> to vector<400x512xi32>
      %eq3A_132 = arith.cmpi eq, %eq3A, %eq3A_131 : vector<400x512xi32>
      %convert_element_type3A_133 = arith.extui %eq3A_132 : vector<400x512xi1> to vector<400x512xi32>
      %convert_element_type3A_134 = arith.sitofp %convert_element_type3A_133 : vector<400x512xi32> to vector<400x512xf32>
      %mul3A_135 = arith.mulf %div3A_130, %div3A_130 : vector<400x512xf32>
      %mul3A_136 = arith.mulf %mul3A_135, %convert_element_type3A_134 : vector<400x512xf32>
      %mul3A_137 = arith.mulf %sub3A_118, %mul3A_136 : vector<400x512xf32>
      %reduce_sum3A_138 = arith.constant dense<0.000000e+00> : vector<400xf32>
      %reduce_sum3A_139 = vector.multi_reduction <add>, %mul3A_137, %reduce_sum3A_138 [1] : vector<400x512xf32> to vector<400xf32>
      %broadcast_in_dim3A_140 = vector.shape_cast %reduce_sum3A_139 : vector<400xf32> to vector<400x1xf32>
      %add3A_141 = arith.addf %while3A_96, %broadcast_in_dim3A_140 : vector<400x1xf32>
      %mul3A_142 = arith.mulf %sub3A_121, %mul3A_136 : vector<400x512xf32>
      %reduce_sum3A_143 = arith.constant dense<0.000000e+00> : vector<400xf32>
      %reduce_sum3A_144 = vector.multi_reduction <add>, %mul3A_142, %reduce_sum3A_143 [1] : vector<400x512xf32> to vector<400xf32>
      %broadcast_in_dim3A_145 = vector.shape_cast %reduce_sum3A_144 : vector<400xf32> to vector<400x1xf32>
      %add3A_146 = arith.addf %while3A_97, %broadcast_in_dim3A_145 : vector<400x1xf32>
      %reduce_sum3A_147 = arith.constant dense<0.000000e+00> : vector<400xf32>
      %reduce_sum3A_148 = vector.multi_reduction <add>, %convert_element_type3A_134, %reduce_sum3A_147 [1] : vector<400x512xf32> to vector<400xf32>
      %broadcast_in_dim3A_149 = vector.shape_cast %reduce_sum3A_148 : vector<400xf32> to vector<400x1xf32>
      %add3A_150 = arith.addf %while3A_98, %broadcast_in_dim3A_149 : vector<400x1xf32>
      scf.yield %add3A_141, %add3A_146, %add3A_150 : vector<400x1xf32>, vector<400x1xf32>, vector<400x1xf32>
    }
    %max3A = arith.constant 1.000000e+00 : f32
    %max3A_84 = vector.broadcast %max3A : f32 to vector<400x1xf32>
    %max3A_85 = arith.maximumf %while3A_83#2, %max3A_84 : vector<400x1xf32>
    %div3A_86 = arith.constant 1.000000e+00 : f32
    %div3A_87 = vector.broadcast %div3A_86 : f32 to vector<400x1xf32>
    %div3A_88 = arith.divf %div3A_87, %max3A_85 : vector<400x1xf32>
    %mul3A = arith.mulf %while3A_83#0, %div3A_88 : vector<400x1xf32>
    %swap3A = arith.constant 0 : index
    %swap3A_89 = arith.constant 0 : index
    %swap3A_90 = vector.load %arg7[%swap3A, %swap3A_89] : memref<400x1xf32, #tpu.memory_space<vmem>>, vector<400x1xf32>
    tpu.vector_store %arg7[%swap3A, %swap3A_89], %mul3A {strides = array<i32>} : memref<400x1xf32, #tpu.memory_space<vmem>>, vector<400x1xf32>,
    %mul3A_91 = arith.mulf %while3A_83#1, %div3A_88 : vector<400x1xf32>
    %swap3A_92 = arith.constant 0 : index
    %swap3A_93 = arith.constant 0 : index
    %swap3A_94 = vector.load %arg8[%swap3A_92, %swap3A_93] : memref<400x1xf32, #tpu.memory_space<vmem>>, vector<400x1xf32>
    tpu.vector_store %arg8[%swap3A_92, %swap3A_93], %mul3A_91 {strides = array<i32>} : memref<400x1xf32, #tpu.memory_space<vmem>>, vector<400x1xf32>,
    return
  }
  func.func @transform_0(%arg0: i32) -> (i32, i32) {
    %c0_i32 = arith.constant 0 : i32
    %c0_i32_0 = arith.constant 0 : i32
    return %arg0, %c0_i32 : i32, i32
  }
  func.func @transform_1(%arg0: i32) -> (i32, i32) {
    %c0_i32 = arith.constant 0 : i32
    %c0_i32_0 = arith.constant 0 : i32
    return %arg0, %c0_i32 : i32, i32
  }
  func.func @transform_2(%arg0: i32) -> (i32, i32) {
    %c0_i32 = arith.constant 0 : i32
    %c0_i32_0 = arith.constant 0 : i32
    return %arg0, %c0_i32 : i32, i32
  }
  func.func @transform_3(%arg0: i32) -> (i32, i32) {
    %c0_i32 = arith.constant 0 : i32
    %c0_i32_0 = arith.constant 0 : i32
    %c0_i32_1 = arith.constant 0 : i32
    return %c0_i32, %c0_i32_0 : i32, i32
  }
  func.func @transform_4(%arg0: i32) -> (i32, i32) {
    %c0_i32 = arith.constant 0 : i32
    %c0_i32_0 = arith.constant 0 : i32
    %c0_i32_1 = arith.constant 0 : i32
    return %c0_i32, %c0_i32_0 : i32, i32
  }
  func.func @transform_5(%arg0: i32) -> (i32, i32) {
    %c0_i32 = arith.constant 0 : i32
    %c0_i32_0 = arith.constant 0 : i32
    %c0_i32_1 = arith.constant 0 : i32
    return %c0_i32, %c0_i32_0 : i32, i32
  }
  func.func @transform_6(%arg0: i32) -> (i32, i32) {
    %c0_i32 = arith.constant 0 : i32
    %c0_i32_0 = arith.constant 0 : i32
    return %arg0, %c0_i32 : i32, i32
  }
  func.func @transform_7(%arg0: i32) -> (i32, i32) {
    %c0_i32 = arith.constant 0 : i32
    %c0_i32_0 = arith.constant 0 : i32
    return %arg0, %c0_i32 : i32, i32
  }
}

module attributes {stable_mosaic.version = 14 : i64} {
  func.func @_combine_body(%arg0: i32, %arg1: memref<1x1xf32, #tpu.memory_space<smem>>, %arg2: memref<400x128xf32, #tpu.memory_space<vmem>>, %arg3: memref<400x2xf32, #tpu.memory_space<vmem>>, %arg4: memref<400x2xf32, #tpu.memory_space<vmem>>, %arg5: memref<400x1xf32, #tpu.memory_space<vmem>>, %arg6: memref<400x1xf32, #tpu.memory_space<vmem>>, %arg7: memref<400x128xf32, #tpu.memory_space<vmem>>) attributes {dimension_semantics = [#tpu.dimension_semantics<arbitrary>], iteration_bounds = array<i64: 25>, scalar_prefetch = 0 : i64, scratch_operands = 0 : i64, tpu.core_type = #tpu.core_type<tc>, window_params = [{transform_indices = @transform_0, window_bounds = array<i64: 1, 1>}, {transform_indices = @transform_1, window_bounds = array<i64: 400, 128>}, {transform_indices = @transform_2, window_bounds = array<i64: 400, 2>}, {transform_indices = @transform_3, window_bounds = array<i64: 400, 2>}, {transform_indices = @transform_4, window_bounds = array<i64: 400, 1>}, {transform_indices = @transform_5, window_bounds = array<i64: 400, 1>}, {transform_indices = @transform_6, window_bounds = array<i64: 400, 128>}]} {
    %get3A = arith.constant 0 : index
    %get3A_0 = arith.constant 0 : index
    %get3A_1 = memref.load %arg1[%get3A, %get3A_0] : memref<1x1xf32, #tpu.memory_space<smem>>
    %get3A_2 = arith.constant 0 : index
    %get3A_3 = arith.constant 0 : index
    %get3A_4 = vector.load %arg3[%get3A_2, %get3A_3] : memref<400x2xf32, #tpu.memory_space<vmem>>, vector<400x1xf32>
    %get3A_5 = arith.constant 0 : index
    %get3A_6 = arith.constant 1 : index
    %get3A_7 = vector.load %arg3[%get3A_5, %get3A_6] : memref<400x2xf32, #tpu.memory_space<vmem>>, vector<400x1xf32>
    %add3A = arith.addf %get3A_4, %get3A_7 : vector<400x1xf32>
    %get3A_8 = arith.constant 0 : index
    %get3A_9 = arith.constant 0 : index
    %get3A_10 = vector.load %arg5[%get3A_8, %get3A_9] : memref<400x1xf32, #tpu.memory_space<vmem>>, vector<400x1xf32>
    %add3A_11 = arith.addf %add3A, %get3A_10 : vector<400x1xf32>
    %get3A_12 = arith.constant 0 : index
    %get3A_13 = arith.constant 0 : index
    %get3A_14 = vector.load %arg4[%get3A_12, %get3A_13] : memref<400x2xf32, #tpu.memory_space<vmem>>, vector<400x1xf32>
    %get3A_15 = arith.constant 0 : index
    %get3A_16 = arith.constant 1 : index
    %get3A_17 = vector.load %arg4[%get3A_15, %get3A_16] : memref<400x2xf32, #tpu.memory_space<vmem>>, vector<400x1xf32>
    %add3A_18 = arith.addf %get3A_14, %get3A_17 : vector<400x1xf32>
    %get3A_19 = arith.constant 0 : index
    %get3A_20 = arith.constant 0 : index
    %get3A_21 = vector.load %arg6[%get3A_19, %get3A_20] : memref<400x1xf32, #tpu.memory_space<vmem>>, vector<400x1xf32>
    %add3A_22 = arith.addf %add3A_18, %get3A_21 : vector<400x1xf32>
    %mul3A = vector.broadcast %get3A_1 : f32 to vector<400x1xf32>
    %mul3A_23 = arith.mulf %mul3A, %add3A_11 : vector<400x1xf32>
    %mul3A_24 = vector.broadcast %get3A_1 : f32 to vector<400x1xf32>
    %mul3A_25 = arith.mulf %mul3A_24, %add3A_22 : vector<400x1xf32>
    %mul3A_26 = arith.mulf %mul3A_23, %mul3A_23 : vector<400x1xf32>
    %mul3A_27 = arith.mulf %mul3A_25, %mul3A_25 : vector<400x1xf32>
    %add3A_28 = arith.addf %mul3A_26, %mul3A_27 : vector<400x1xf32>
    %sqrt3A = math.sqrt %add3A_28 : vector<400x1xf32>
    %add3A_29 = arith.constant 9.99999971E-10 : f32
    %add3A_30 = vector.broadcast %add3A_29 : f32 to vector<400x1xf32>
    %add3A_31 = arith.addf %sqrt3A, %add3A_30 : vector<400x1xf32>
    %div3A = arith.constant 1.000000e-01 : f32
    %div3A_32 = vector.broadcast %div3A : f32 to vector<400x1xf32>
    %div3A_33 = arith.divf %div3A_32, %add3A_31 : vector<400x1xf32>
    %min3A = arith.constant 1.000000e+00 : f32
    %min3A_34 = vector.broadcast %min3A : f32 to vector<400x1xf32>
    %min3A_35 = arith.minimumf %div3A_33, %min3A_34 : vector<400x1xf32>
    %mul3A_36 = arith.mulf %mul3A_23, %min3A_35 : vector<400x1xf32>
    %mul3A_37 = arith.mulf %mul3A_25, %min3A_35 : vector<400x1xf32>
    %get3A_38 = arith.constant 0 : index
    %get3A_39 = arith.constant 0 : index
    %get3A_40 = vector.load %arg2[%get3A_38, %get3A_39] : memref<400x128xf32, #tpu.memory_space<vmem>>, vector<400x128xf32>
    %iota3A = tpu.iota {dimensions = array<i32: 1>} : vector<400x128xi32>
    %eq3A = arith.constant 0 : i32
    %eq3A_41 = vector.broadcast %eq3A : i32 to vector<400x128xi32>
    %eq3A_42 = arith.cmpi eq, %iota3A, %eq3A_41 : vector<400x128xi32>
    %jit3A = arith.constant 0.000000e+00 : f32
    %broadcast_in_dim3A = vector.shape_cast %mul3A_36 : vector<400x1xf32> to vector<400x1xf32>
    %broadcast_in_dim3A_43 = vector.broadcast %broadcast_in_dim3A : vector<400x1xf32> to vector<400x128xf32>
    %broadcast_in_dim3A_44 = vector.broadcast %jit3A : f32 to vector<400x128xf32>
    %select_n3A = arith.select %eq3A_42, %broadcast_in_dim3A_43, %broadcast_in_dim3A_44 : vector<400x128xi1>, vector<400x128xf32>
    %add3A_45 = arith.addf %get3A_40, %select_n3A : vector<400x128xf32>
    %eq3A_46 = arith.constant 1 : i32
    %eq3A_47 = vector.broadcast %eq3A_46 : i32 to vector<400x128xi32>
    %eq3A_48 = arith.cmpi eq, %iota3A, %eq3A_47 : vector<400x128xi32>
    %jit3A_49 = arith.constant 0.000000e+00 : f32
    %broadcast_in_dim3A_50 = vector.shape_cast %mul3A_37 : vector<400x1xf32> to vector<400x1xf32>
    %broadcast_in_dim3A_51 = vector.broadcast %broadcast_in_dim3A_50 : vector<400x1xf32> to vector<400x128xf32>
    %broadcast_in_dim3A_52 = vector.broadcast %jit3A_49 : f32 to vector<400x128xf32>
    %select_n3A_53 = arith.select %eq3A_48, %broadcast_in_dim3A_51, %broadcast_in_dim3A_52 : vector<400x128xi1>, vector<400x128xf32>
    %add3A_54 = arith.addf %add3A_45, %select_n3A_53 : vector<400x128xf32>
    %swap3A = arith.constant 0 : index
    %swap3A_55 = arith.constant 0 : index
    %swap3A_56 = vector.load %arg7[%swap3A, %swap3A_55] : memref<400x128xf32, #tpu.memory_space<vmem>>, vector<400x128xf32>
    tpu.vector_store %arg7[%swap3A, %swap3A_55], %add3A_54 {strides = array<i32>} : memref<400x128xf32, #tpu.memory_space<vmem>>, vector<400x128xf32>,
    return
  }
  func.func @transform_0(%arg0: i32) -> (i32, i32) {
    %c0_i32 = arith.constant 0 : i32
    %c0_i32_0 = arith.constant 0 : i32
    %c0_i32_1 = arith.constant 0 : i32
    return %c0_i32, %c0_i32_0 : i32, i32
  }
  func.func @transform_1(%arg0: i32) -> (i32, i32) {
    %c0_i32 = arith.constant 0 : i32
    %c0_i32_0 = arith.constant 0 : i32
    return %arg0, %c0_i32 : i32, i32
  }
  func.func @transform_2(%arg0: i32) -> (i32, i32) {
    %c0_i32 = arith.constant 0 : i32
    %c0_i32_0 = arith.constant 0 : i32
    return %arg0, %c0_i32 : i32, i32
  }
  func.func @transform_3(%arg0: i32) -> (i32, i32) {
    %c0_i32 = arith.constant 0 : i32
    %c0_i32_0 = arith.constant 0 : i32
    return %arg0, %c0_i32 : i32, i32
  }
  func.func @transform_4(%arg0: i32) -> (i32, i32) {
    %c0_i32 = arith.constant 0 : i32
    %c0_i32_0 = arith.constant 0 : i32
    return %arg0, %c0_i32 : i32, i32
  }
  func.func @transform_5(%arg0: i32) -> (i32, i32) {
    %c0_i32 = arith.constant 0 : i32
    %c0_i32_0 = arith.constant 0 : i32
    return %arg0, %c0_i32 : i32, i32
  }
  func.func @transform_6(%arg0: i32) -> (i32, i32) {
    %c0_i32 = arith.constant 0 : i32
    %c0_i32_0 = arith.constant 0 : i32
    return %arg0, %c0_i32 : i32, i32
  }
}

</mosaic_0001>

<sc_bundles>
// kernel: kernel.6.cloned.1.call-start
scs
__scs_entry_jumppad:
0x0: {  	(pc) =	sbr.rel $0x88, $3  }
0x1: {  	(tag) =	ssettag $0x0;
	lr =	simm.s32 $0x1  }
0x2: {  	[smem:$0x3F9D] =	sst lr;
	_ =	strace $0xD0000000  }
0x3: {  	_ = 	snop  }
0x4: {  	_ = 	snop  }
0x5: {  	_ = 	snop  }
0x6: {  	_ = 	snop  }
0x7: {  	_ = 	snop  }
__scs_overlays_trampoline_lowered:
0x8: {  	[smem:$0x3FAC] =	sst s0  }
0x9: {  	[smem:$0x3FAD] =	sst s1  }
0xa: {  	[smem:$0x3FAE] =	sst s2  }
0xb: {  	[smem:$0x3FAF] =	sst s3  }
0xc: {  	[smem:$0x3FB0] =	sst s4  }
0xd: {  	[smem:$0x3FB1] =	sst s5  }
0xe: {  	[smem:$0x3FB2] =	sst s6  }
0xf: {  	[smem:$0x3FB3] =	sst s7  }
0x10: {  	[smem:$0x3FB4] =	sst s8  }
0x11: {  	[smem:$0x3FB5] =	sst s9;
	s0 =	simm.s32 @!p0 $0x0  }
0x12: {  	s1 =	sld [smem:$0x3F9B];
	s0 =	simm.s32 @p0 $0x1  }
0x13: {  	[smem:$0x3FB6] =	sst s0;
	s0 =	simm.s32 @!p1 $0x0  }
0x14: {  	s2 =	sld [smem:$0x3F9A];
	s0 =	simm.s32 @p1 $0x1  }
0x15: {  	[smem:$0x3FB7] =	sst s0;
	s0 =	simm.s32 @!p2 $0x0  }
0x16: {  	s3 =	sld [smem:$0x3FDB];
	s0 =	simm.s32 @p2 $0x1  }
0x17: {  	s4 =	simm.s32 $0x1BF5;
	[smem:$0x3FB9] =	sst s0  }
0x18: {  	s0 =	sld [smem:$0x3F9C];
	_ =	swait.ge [sflag:s4], $0x0  }
0x19: {  	s7 =	sld [smem:$0x3F9D]  }
0x1a: {  	s8 =	sadd.s32 $0xFFFFE003, lr  }
0x1b: {  	s9 =	sadd.s32 $0xFFFFFEF7, lr;
	s5 =	simm.s32 $0xFFFFFFFF;
	p2 =	slt.u32 s8, $0xFFFFF086  }
0x1c: {  	p1 =	slt.u32 s9, $0xF7A;
	s5 =	simm.s32 @!p2 $0x0  }
0x1d: {  	s5 =	simm.s32 @p1 $0x1;
	p0 =	seq.s32 s7, s2  }
0x1e: {  	s7 =	smul.u32 @!p0 $0xF7A, s2;
	p2 =	seq.s32 @!p0 s5, $0x0  }
0x1f: {  	s9 =	smul.u32 $0xF7A, s1;
	s8 =	simm.s32 @!p0 $0x1BF5;
	p2 =	por !p2, p0  }
0x20: {  	[sflag:s8] =	ssyncset.s32 @!p0 $0xFFFFF086;
	s6 =	sadd.s32 @!p0 s3, s7;
	s7 =	simm.s32 @!p0 $0x108  }
0x21: {  	s3 =	sadd.s32 s3, s9;
	s6 =	sadd.s32 @!p0 $0x88, s6;
	s7 =	simm.s32 @p2 $0x1082  }
0x22: {  	[simem:s7], [sflag:s8] =	dma.local @!p0 [hbm:s6], $0xF7A  }
0x23: {  	s9 =	sor.u32 $0xD0000000, s2;
	s6 =	simm.s32 $0x108;
	_ =	swait.ge @!p0 [sflag:s8], $0x0  }
0x24: {  	s3 =	sadd.s32 $0x88, s3;
	s6 =	simm.s32 @!p1 $0x1082;
	[sflag:s4] =	ssyncset.s32 $0xFFFFF086  }
0x25: {  	[simem:s6], [sflag:s4] =	dma.local [hbm:s3], $0xF7A  }
0x26: {  	[smem:$0x3F9D] =	sst s1;
	(tag) =	ssettag s2;
	_ =	strace s9  }
0x27: {  	s1 =	sld [smem:$0x3FAD]  }
0x28: {  	s2 =	sld [smem:$0x3FAE]  }
0x29: {  	s4 =	sld [smem:$0x3FB0]  }
0x2a: {  	p0 =	seq.s32 s5, $0x0;
	s5 =	sld [smem:$0x3FB1]  }
0x2b: {  	s6 =	sld [smem:$0x3FB2]  }
0x2c: {  	s7 =	sld [smem:$0x3FB3]  }
0x2d: {  	s3 =	simm.s32 $0x108;
	s8 =	sld [smem:$0x3FB4]  }
0x2e: {  	s3 =	simm.s32 @!p0 $0x1082;
	s9 =	sld [smem:$0x3FB5]  }
0x2f: {  	lr =	sadd.s32 s0, s3;
	s0 =	sld [smem:$0x3FAC]  }
0x30: {  	s3 =	sld [smem:$0x3FAF]  }
0x31: {  	[smem:$0x3FB8] =	sst s10  }
0x32: {  	s10 =	sld [smem:$0x3FB6];
	_ =	sdelay $0x3  }
0x33: {  	p0 =	seq.s32 s10, $0x1;
	s10 =	sld [smem:$0x3FB8];
	_ =	sdelay $0x3  }
0x34: {  	[smem:$0x3FB8] =	sst s10  }
0x35: {  	s10 =	sld [smem:$0x3FB7];
	_ =	sdelay $0x3  }
0x36: {  	p1 =	seq.s32 s10, $0x1;
	s10 =	sld [smem:$0x3FB8];
	_ =	sdelay $0x3  }
0x37: {  	[smem:$0x3FB8] =	sst s10  }
0x38: {  	s10 =	sld [smem:$0x3FB9]  }
0x39: {  	_ = 	snop;
	(pc) =	sbr.ind lr, $3  }
0x3a: {  	_ = 	snop  }
0x3b: {  	_ = 	snop  }
0x3c: {  	p2 =	seq.s32 s10, $0x1;
	s10 =	sld [smem:$0x3FB8]  }
0x3d: {  	_ =	shalt  }
0x3e: {  	_ =	shalt  }
0x3f: {  	_ =	shalt  }
0x40: {  	_ =	shalt  }
0x41: {  	_ =	shalt  }
0x42: {  	_ =	shalt  }
0x43: {  	_ =	shalt  }
0x44: {  	_ =	shalt  }
0x45: {  	_ =	shalt  }
0x46: {  	_ =	shalt  }
0x47: {  	_ =	shalt  }
0x48: {  	_ =	shalt  }
0x49: {  	_ =	shalt  }
0x4a: {  	_ =	shalt  }
0x4b: {  	_ =	shalt  }
0x4c: {  	_ =	shalt  }
0x4d: {  	_ =	shalt  }
0x4e: {  	_ =	shalt  }
0x4f: {  	_ =	shalt  }
0x50: {  	_ =	shalt  }
0x51: {  	_ =	shalt  }
0x52: {  	_ =	shalt  }
0x53: {  	_ =	shalt  }
0x54: {  	_ =	shalt  }
0x55: {  	_ =	shalt  }
0x56: {  	_ =	shalt  }
0x57: {  	_ =	shalt  }
0x58: {  	_ =	shalt  }
0x59: {  	_ =	shalt  }
0x5a: {  	_ =	shalt  }
0x5b: {  	_ =	shalt  }
0x5c: {  	_ =	shalt  }
0x5d: {  	_ =	shalt  }
0x5e: {  	_ =	shalt  }
0x5f: {  	_ =	shalt  }
0x60: {  	_ =	shalt  }
0x61: {  	_ =	shalt  }
0x62: {  	_ =	shalt  }
0x63: {  	_ =	shalt  }
0x64: {  	_ =	shalt  }
0x65: {  	_ =	shalt  }
0x66: {  	_ =	shalt  }
0x67: {  	_ =	shalt  }
0x68: {  	_ =	shalt  }
0x69: {  	_ =	shalt  }
0x6a: {  	_ =	shalt  }
0x6b: {  	_ =	shalt  }
0x6c: {  	_ =	shalt  }
0x6d: {  	_ =	shalt  }
0x6e: {  	_ =	shalt  }
0x6f: {  	_ =	shalt  }
0x70: {  	_ =	shalt  }
0x71: {  	_ =	shalt  }
0x72: {  	_ =	shalt  }
0x73: {  	_ =	shalt  }
0x74: {  	_ =	shalt  }
0x75: {  	_ =	shalt  }
0x76: {  	_ =	shalt  }
0x77: {  	_ =	shalt  }
0x78: {  	_ =	shalt  }
0x79: {  	_ =	shalt  }
0x7a: {  	_ =	shalt  }
0x7b: {  	_ =	shalt  }
0x7c: {  	_ =	shalt  }
0x7d: {  	_ =	shalt  }
0x7e: {  	_ =	shalt  }
0x7f: {  	_ =	shalt  }
0x80: {  	_ =	shalt  }
0x81: {  	_ =	shalt  }
0x82: {  	_ =	shalt  }
0x83: {  	_ =	shalt  }
0x84: {  	_ =	shalt  }
0x85: {  	_ =	shalt  }
0x86: {  	_ =	shalt  }
0x87: {  	_ =	shalt  }
.Lfunc_end0:
.L_simem_size_0:
called_computation_lowered:
.L_overlay_start_0:
0x88: {  	s2 =	sld [smem:$0x3FD9]  }
0x89: {  	s3 =	sld [smem:$0x3FFE];
	_ =	sdelay $0x1  }
0x8a: {  	s1 =	srdreg.scid  }
0x8b: {  	s0 =	sand.u32 $0x1, s1  }
0x8c: {  	s16 =	sshll.u32 s0, $0xA;
	s2 =	sadd.s32 s3, s2  }
0x8d: {  	s2 =	sadd.s32 s2, s16  }
0x8e: {  	[smem:$0x3FC4] =	sst s2  }
0x8f: {  	_ = 	snop  }
0x90: {  	(tm) =	ssettm $0x1  }
0x91: {  	s17 =	sld [smem:$0x3FFB];
	_ =	sdelay $0x3  }
0x92: {  	_ =	strace s17  }
0x93: {  	s2 =	sld [smem:$0x3FFC];
	_ =	sdelay $0x3  }
0x94: {  	_ =	strace s2  }
0x95: {  	s2 =	sld [smem:$0x3FFD];
	_ =	sdelay $0x3  }
0x96: {  	_ =	strace s2  }
0x97: {  	_ =	strace $0x8FFFFFFF  }
0x98: {  	s18 =	sld [smem:$0x3FDB];
	_ =	sdelay $0x1  }
0x99: {  	s19 =	simm.s32 $_scs_section_size  }
0x9a: {  	s4 =	simm.s32 $_size__tile_overlayer_lowered;
	s5 =	simm.s32 $_tile_overlayer_lowered  }
0x9b: {  	s22 =	simm.s32 $0x1BFF;
	s21 =	sshll.u32 s5, $0x1;
	s2 =	sadd.s32 s19, s18  }
0x9c: {  	s6 =	simm.s32 $0x0;
	s20 =	sshll.u32 s4, $0x1;
	s4 =	sadd.s32 s21, s2  }
0x9d: {  	[timem:s6], [sflag:s22] =	dma.local [hbm:s4], s20  }
0x9e: {  	_ =	swait.ge [sflag:s22], s20  }
0x9f: {  	s3 =	ssub.s32 $0x0, s20;
	[sflag:s22] =	ssyncset.done $0x0  }
0xa0: {  	[sflag:s22] =	ssyncadd.s32 s3;
	_ =	sdelay $0x1  }
0xa1: {  	s23 =	simm.s32 $0x1B8B  }
0xa2: {  	_ =	swait.ge [sflag:s23], $0x1  }
0xa3: {  	[sflag:s23] =	ssyncset.done $0x0  }
0xa4: {  	s25 =	simm.s32 $0x1B8E;
	s24 =	sld [smem:$0x3FFE];
	[sflag:s23] =	ssyncadd.s32 $0xFFFFFFFF  }
0xa5: {  	s26 =	simm.s32 $execute0_lowered;
	[smem:$0x3FD2] =	sst s25  }
0xa6: {  	s4 =	sshll.u32 s26, $0x1;
	_ =	strace $0x80000046;
	[dreg:$0x1] =	wrdreg $0xFFFFFFFF  }
0xa7: {  	s28 =	simm.s32 $_size_execute0_lowered;
	s2 =	sadd.s32 s2, s4;
	[dreg:$0x0] =	wrdreg $0x0  }
0xa8: {  	s4 =	sshll.u32 s28, $0x1;
	[dreg:$0x2] =	wrdreg s2  }
0xa9: {  	[dreg:$0x3] =	wrdreg s4  }
0xaa: {  	[dreg:$0x4] =	wrdreg $0xC0  }
0xab: {  	_ =	task [dreg:s6], $0x5FFFF  }
0xac: {  	[dreg:$0x1] =	wrdreg $0xFFFFFFFF  }
0xad: {  	[dreg:$0x0] =	wrdreg $0x60  }
0xae: {  	[dreg:$0x2] =	wrdreg s24  }
0xaf: {  	[dreg:$0x3] =	wrdreg $0x122000  }
0xb0: {  	[dreg:$0x4] =	wrdreg $0x9  }
0xb1: {  	_ =	task.clear_ibuf [dreg:s6], $0x5FFFF;
	_ =	strace $0x90000046  }
0xb2: {  	s29 =	simm.s32 $0x9;
	_ =	strace $0x80000048  }
0xb3: {  	_ =	swait.ge [sflag:s29], $0x1  }
0xb4: {  	[sflag:s29] =	ssyncadd.s32 $0xFFFFFFFF  }
0xb5: {  	_ =	strace $0x90000048  }
0xb6: {  	_ =	sfence  }
0xb7: {  	s30 =	sld [smem:$0x0];
	_ =	sdelay $0x2  }
0xb8: {  	s31 =	sshll.u32 s1, $0xD;
	s1 =	sshrl.u32 s1, $0x2  }
0xb9: {  	s3 =	sand.u32 $0x4000, s31;
	s1 =	sadd.s32 s1, s30  }
0xba: {  	s0 =	sor.u32 s3, s0;
	s1 =	sshll.u32 s1, $0x11  }
0xbb: {  	s0 =	sor.u32 s1, s0  }
0xbc: {  	s0 =	sadd.s32 $0x8F2B, s0  }
0xbd: {  	[sflag:s0] =	ssyncadd.remote.s32 $0x1  }
0xbe: {  	_ =	sfence.sel $0xFFFF  }
0xbf: {  	[dreg:$0x0] =	wrdreg $0xFFFFFFFF;
	(pc) =	sbr.abs _section_cstart, $3  }
0xc0: {  	[dreg:$0x1] =	wrdreg $0xFFFFFFFF  }
0xc1: {  	_ =	task.clear_ibuf [dreg:s6], $0x2FFFF;
	_ =	strace $0x9FFFFFFF  }
0xc2: {  	(tm) =	ssettm $0x7FFFFFFF  }
0xc3: {  	_ =	shalt  }
tec
execute0_lowered:
.L_overlay_start_1:
0x0: {  	(tag) =	ssettag $0x1  }
0x1: {  	s6 =	rddreg [dreg:$0x0]  }
0x2: {  	s9 =	rddreg [dreg:$0x1]  }
0x3: {  	s0 =	rddreg [dreg:$0x2];
	s1 =	simm.s32 $0x0;
	s2 =	srdreg.scid  }
0x4: {  	s15 =	simm.s32 $0x7800;
	s16 =	simm.s32 $0xA000;
	s17 =	simm.s32 $0xC800  }
0x5: {  	s18 =	simm.s32 $0x80;
	s19 =	simm.s32 $0x400;
	s20 =	simm.s32 $0x11800  }
0x6: {  	s21 =	simm.s32 $0x11D00;
	s22 =	simm.s32 $0x100;
	s23 =	simm.s32 $0x0  }
0x7: {  	[smem:$0x7FF] =	sst s1;
	s7 =	sand.u32 $0x1, s2;
	s3 =	sadd.s32 $0xC00, s6  }
0x8: {  	s2 =	stileid.u32;
	s4 =	sadd.s32 $0x1200, s6;
	_ =	strace $0x80000047  }
0x9: {  	s5 =	sshll.u32 s7, $0x4;
	s10 =	smul.u32 $0xA00, s2;
	s11 =	sshll.u32 s7, $0x7  }
0xa: {  	s7 =	ssub.s32 $0x2, s7;
	s29 =	sshrl.u32 s2, $0x3;
	s30 =	sshll.u32 s2, $0x7  }
0xb: {  	s13 =	smul.u32 $0xA000, s2;
	s8 =	sor.u32 s2, s5;
	s5 =	sadd.s32 $0x15800, s6  }
0xc: {  	s12 =	sshrl.u32 s7, $0x1;
	s14 =	sand.u32 $0x380, s30;
	s8 =	smul.u32 $0x500, s8  }
0xd: {  	s10 =	sor.u32 s11, s10;
	s11 =	smul.u32 $0xA0000, s29;
	s12 =	ssub.s32 s7, s12  }
0xe: {  	s31 =	sshrl.u32 s13, $0x2;
	s13 =	simm.s32 $0x2800;
	s10 =	sshrl.u32 s10, $0x3  }
0xf: {  	s8 =	sadd.s32 s8, s6;
	s10 =	sadd.s32 s10, s6;
	s11 =	sshrl.u32 s11, $0x2  }
0x10: {  	s6 =	sadd.s32 $0x1800, s8;
	s11 =	sadd.s32 s11, s9;
	s7 =	sadd.s32 $0xB800, s8  }
0x11: {  	s9 =	sadd.s32 s31, s9;
	s10 =	sadd.s32 $0x15E00, s10;
	s8 =	sadd.s32 s14, s11  }
0x12: {  	v0 =	vimm.f32 $0.0e+00;
	s11 =	smax.u32 s12, $0x1;
	s12 =	simm.s32 $0x1;
	s14 =	simm.s32 $0x5000  }
.LBB2_1:
0x13: {  	[tilespmem:s1], [sflag:$0x1] =	stream.linear.gather [hbm4b:s3+s1], $0x2800, $0x38;
	[tilespmem:$0x17200] =	vst v63  }
0x14: {  	_ =	swait.ge [sflag:s12], $0x2800  }
0x15: {  	[sflag:s12] =	ssyncset.done $0x0  }
0x16: {  	[sflag:s12] =	ssyncadd.s32 $0xFFFFD800  }
0x17: {  	[tilespmem:s13], [sflag:$0x1] =	stream.linear.gather [hbm4b:s4+s1], $0x2800, $0x38;
	[tilespmem:$0x17200] =	vst v63  }
0x18: {  	_ =	swait.ge [sflag:s12], $0x2800  }
0x19: {  	[sflag:s12] =	ssyncset.done $0x0  }
0x1a: {  	[sflag:s12] =	ssyncadd.s32 $0xFFFFD800  }
0x1b: {  	[tilespmem:s14], [sflag:$0x1] =	stream.linear.gather [hbm4b:s5+s1], $0x2800, $0x38;
	[tilespmem:$0x17200] =	vst v63  }
0x1c: {  	_ =	swait.ge [sflag:s12], $0x2800  }
0x1d: {  	[sflag:s12] =	ssyncset.done $0x0  }
0x1e: {  	[sflag:s12] =	ssyncadd.s32 $0xFFFFD800  }
0x1f: {  	[tilespmem:s15], [sflag:$0x1] =	stream.linear.gather [hbm4b:s6+s1], $0x2780, $0x38;
	[tilespmem:$0x17200] =	vst v63  }
0x20: {  	_ =	swait.ge [sflag:s12], $0x2780  }
0x21: {  	[sflag:s12] =	ssyncset.done $0x0  }
0x22: {  	[sflag:s12] =	ssyncadd.s32 $0xFFFFD880  }
0x23: {  	[tilespmem:s16], [sflag:$0x1] =	stream.linear.gather [hbm4b:s7+s1], $0x2780, $0x38;
	[tilespmem:$0x17200] =	vst v63  }
0x24: {  	_ =	swait.ge [sflag:s12], $0x2780  }
0x25: {  	[sflag:s12] =	ssyncset.done $0x0  }
0x26: {  	s24 =	simm.s32 $0x0;
	s25 =	simm.s32 $0x200;
	[sflag:s12] =	ssyncadd.s32 $0xFFFFD880  }
.LBB2_2:
0x27: {  	p0 =	sne.s32 s25, $0x13E00;
	[tilespmem:s24+$0xC870] =	vst v0  }
0x28: {  	[tilespmem:s24+$0xC800] =	vst v0  }
0x29: {  	[tilespmem:s24+$0xC810] =	vst v0  }
.Ltmp0:
0x2a: {  	[tilespmem:s24+$0xC820] =	vst v0;
	(pc) =	sbr.rel @p0 .LBB2_2-.Ltmp0, $4  }
0x2b: {  	[tilespmem:s24+$0xC830] =	vst v0  }
0x2c: {  	[tilespmem:s24+$0xC840] =	vst v0  }
0x2d: {  	[tilespmem:s24+$0xC850] =	vst v0  }
0x2e: {  	[tilespmem:s24+$0xC860] =	vst v0;
	s24 =	sshra.s32 s25, $0x2;
	s25 =	sadd.s32 $0x200, s25  }
0x2f: {  	[tilespmem:s24+$0xC870] =	vst v0  }
0x30: {  	[tilespmem:s24+$0xC800] =	vst v0  }
0x31: {  	[tilespmem:s24+$0xC810] =	vst v0  }
0x32: {  	[tilespmem:s24+$0xC820] =	vst v0  }
0x33: {  	[tilespmem:s24+$0xC830] =	vst v0  }
0x34: {  	[tilespmem:s24+$0xC840] =	vst v0  }
0x35: {  	[tilespmem:s24+$0xC850] =	vst v0  }
0x36: {  	[tilespmem:s24+$0xC860] =	vst v0;
	s24 =	simm.s32 $0x0  }
.LBB2_4:
0x37: {  	s25 =	sshra.s32 s24, $0x2  }
0x38: {  	v1 =	vld [tilespmem:s25+$0x7800]  }
0x39: {  	v2 =	vld [tilespmem:s25+$0xA000];
	_ =	sdelay $0x6  }
0x3a: {  	v3 =	vld.idx.msk [tilespmem:v1+s1+$0x0], $0xffff  }
0x3b: {  	v4 =	vld.idx.msk [tilespmem:v2+s1+$0x0], $0xffff  }
0x3c: {  	v5 =	vld.idx.msk [tilespmem:v1+s13+$0x0], $0xffff  }
0x3d: {  	v6 =	vld.idx.msk [tilespmem:v2+s13+$0x0], $0xffff;
	_ =	sdelay $0x4  }
0x3e: {  	v3 =	vsub.f32 v3, v4;
	v42 =	vsub.f32 v5, v6;
	_ =	sdelay $0x1  }
0x3f: {  	v43 =	vmul.f32 v3, v3;
	v6 =	vmul.f32 v42, v42;
	_ =	sdelay $0x1  }
0x40: {  	v5 =	vadd.f32 v6, v43;
	_ =	sdelay $0x1  }
0x41: {  	v6 =	vshra.s32 v5, $0x1;
	v7 =	vmul.f32 $5.000000000e-01, v5  }
0x42: {  	v6 =	vsub.s32 $0x5F3759DF, v6  }
0x43: {  	v8 =	vmul.f32 v6, v7;
	_ =	sdelay $0x1  }
0x44: {  	v8 =	vmul.f32 v6, v8;
	_ =	sdelay $0x1  }
0x45: {  	v8 =	vsub.f32 $1.500000000e+00, v8  }
0x46: {  	v9 =	vld.idx.msk [tilespmem:v1+s14+$0x0], $0xffff  }
0x47: {  	v6 =	vmul.f32 v6, v8;
	_ =	sdelay $0x1  }
0x48: {  	v7 =	vmul.f32 v6, v7;
	_ =	sdelay $0x1  }
0x49: {  	(erf) = vrcp.f32 v9;
	v7 =	vmul.f32 v7, v6;
	_ =	sdelay $0x1  }
0x4a: {  	v7 =	vsub.f32 $1.500000000e+00, v7;
	_ =	sdelay $0x1  }
0x4b: {  	v6 =	vmul.f32 v7, v6;
	_ =	sdelay $0x1  }
0x4c: {  	v5 =	vmul.f32 v6, v5;
	_ =	sdelay $0x1  }
0x4d: {  	v5 =	vadd.f32 $9.999999770e-03, v5  }
0x4e: {  	v44 =	vpop (erf)  }
0x4f: {  	v5 =	vmul.f32 v5, v44;
	_ =	sdelay $0x1  }
0x50: {  	v45 =	vadd.s32 $0x2800, v1;
	v5 =	vsub.f32 $0.0e+00, v5;
	_ =	sdelay $0x1  }
0x51: {  	v46 =	vadd.s32 $0x2800, v2;
	v3 =	vmul.f32 v5, v3  }
0x52: {  	v4 =	vmul.f32 v5, v42  }
0x53: {  	[tilespmem:v1+s17+$0x0] =	vst.idx.add.f32.msk $0xffff, v3;
	v1 =	vsub.f32 $0.0e+00, v3  }
0x54: {  	v3 =	vsub.f32 $0.0e+00, v4;
	[tilespmem:v45+s17+$0x0] =	vst.idx.add.f32.msk $0xffff, v4  }
0x55: {  	[tilespmem:v2+s17+$0x0] =	vst.idx.add.f32.msk $0xffff, v1  }
0x56: {  	[tilespmem:v46+s17+$0x0] =	vst.idx.add.f32.msk $0xffff, v3  }
0x57: {  	v1 =	vld [tilespmem:s25+$0x7810]  }
0x58: {  	v2 =	vld [tilespmem:s25+$0xA010];
	_ =	sdelay $0x6  }
0x59: {  	v3 =	vld.idx.msk [tilespmem:v1+s1+$0x0], $0xffff  }
0x5a: {  	v47 =	vld.idx.msk [tilespmem:v2+s1+$0x0], $0xffff  }
0x5b: {  	v48 =	vld.idx.msk [tilespmem:v1+s13+$0x0], $0xffff  }
0x5c: {  	v6 =	vld.idx.msk [tilespmem:v2+s13+$0x0], $0xffff;
	_ =	sdelay $0x4  }
0x5d: {  	v3 =	vsub.f32 v3, v47;
	v49 =	vsub.f32 v48, v6;
	_ =	sdelay $0x1  }
0x5e: {  	v50 =	vmul.f32 v3, v3;
	v6 =	vmul.f32 v49, v49;
	_ =	sdelay $0x1  }
0x5f: {  	v5 =	vadd.f32 v6, v50;
	_ =	sdelay $0x1  }
0x60: {  	v6 =	vshra.s32 v5, $0x1;
	v51 =	vmul.f32 $5.000000000e-01, v5  }
0x61: {  	v6 =	vsub.s32 $0x5F3759DF, v6  }
0x62: {  	v52 =	vmul.f32 v6, v51;
	_ =	sdelay $0x1  }
0x63: {  	v8 =	vmul.f32 v6, v52;
	_ =	sdelay $0x1  }
0x64: {  	v8 =	vsub.f32 $1.500000000e+00, v8  }
0x65: {  	v53 =	vld.idx.msk [tilespmem:v1+s14+$0x0], $0xffff  }
0x66: {  	v6 =	vmul.f32 v6, v8;
	_ =	sdelay $0x1  }
0x67: {  	v7 =	vmul.f32 v6, v51;
	_ =	sdelay $0x1  }
0x68: {  	(erf) = vrcp.f32 v53;
	v7 =	vmul.f32 v7, v6;
	_ =	sdelay $0x1  }
0x69: {  	v7 =	vsub.f32 $1.500000000e+00, v7;
	_ =	sdelay $0x1  }
0x6a: {  	v6 =	vmul.f32 v7, v6;
	_ =	sdelay $0x1  }
0x6b: {  	v5 =	vmul.f32 v6, v5;
	_ =	sdelay $0x1  }
0x6c: {  	v5 =	vadd.f32 $9.999999770e-03, v5  }
0x6d: {  	v54 =	vpop (erf)  }
0x6e: {  	v5 =	vmul.f32 v5, v54;
	_ =	sdelay $0x1  }
0x6f: {  	v55 =	vadd.s32 $0x2800, v1;
	v5 =	vsub.f32 $0.0e+00, v5;
	_ =	sdelay $0x1  }
0x70: {  	v56 =	vadd.s32 $0x2800, v2;
	v3 =	vmul.f32 v5, v3  }
0x71: {  	v4 =	vmul.f32 v5, v49  }
0x72: {  	[tilespmem:v1+s17+$0x0] =	vst.idx.add.f32.msk $0xffff, v3;
	v1 =	vsub.f32 $0.0e+00, v3  }
0x73: {  	v3 =	vsub.f32 $0.0e+00, v4;
	[tilespmem:v55+s17+$0x0] =	vst.idx.add.f32.msk $0xffff, v4  }
0x74: {  	[tilespmem:v2+s17+$0x0] =	vst.idx.add.f32.msk $0xffff, v1  }
0x75: {  	[tilespmem:v56+s17+$0x0] =	vst.idx.add.f32.msk $0xffff, v3  }
0x76: {  	v1 =	vld [tilespmem:s25+$0x7820]  }
0x77: {  	v2 =	vld [tilespmem:s25+$0xA020];
	_ =	sdelay $0x6  }
0x78: {  	v3 =	vld.idx.msk [tilespmem:v1+s1+$0x0], $0xffff  }
0x79: {  	v57 =	vld.idx.msk [tilespmem:v2+s1+$0x0], $0xffff  }
0x7a: {  	v58 =	vld.idx.msk [tilespmem:v1+s13+$0x0], $0xffff  }
0x7b: {  	v6 =	vld.idx.msk [tilespmem:v2+s13+$0x0], $0xffff;
	_ =	sdelay $0x4  }
0x7c: {  	v3 =	vsub.f32 v3, v57;
	v59 =	vsub.f32 v58, v6;
	_ =	sdelay $0x1  }
0x7d: {  	v60 =	vmul.f32 v3, v3;
	v6 =	vmul.f32 v59, v59;
	_ =	sdelay $0x1  }
0x7e: {  	v5 =	vadd.f32 v6, v60;
	_ =	sdelay $0x1  }
0x7f: {  	v6 =	vshra.s32 v5, $0x1;
	v61 =	vmul.f32 $5.000000000e-01, v5  }
0x80: {  	v6 =	vsub.s32 $0x5F3759DF, v6  }
0x81: {  	v62 =	vmul.f32 v6, v61;
	_ =	sdelay $0x1  }
0x82: {  	v8 =	vmul.f32 v6, v62;
	_ =	sdelay $0x1  }
0x83: {  	v8 =	vsub.f32 $1.500000000e+00, v8  }
0x84: {  	v63 =	vld.idx.msk [tilespmem:v1+s14+$0x0], $0xffff  }
0x85: {  	v6 =	vmul.f32 v6, v8;
	_ =	sdelay $0x1  }
0x86: {  	v7 =	vmul.f32 v6, v61;
	_ =	sdelay $0x1  }
0x87: {  	(erf) = vrcp.f32 v63;
	v7 =	vmul.f32 v7, v6;
	_ =	sdelay $0x1  }
0x88: {  	v7 =	vsub.f32 $1.500000000e+00, v7;
	_ =	sdelay $0x1  }
0x89: {  	v6 =	vmul.f32 v7, v6;
	_ =	sdelay $0x1  }
0x8a: {  	v5 =	vmul.f32 v6, v5;
	_ =	sdelay $0x1  }
0x8b: {  	v5 =	vadd.f32 $9.999999770e-03, v5  }
0x8c: {  	v11 =	vpop (erf)  }
0x8d: {  	v5 =	vmul.f32 v5, v11;
	_ =	sdelay $0x1  }
0x8e: {  	v12 =	vadd.s32 $0x2800, v1;
	v5 =	vsub.f32 $0.0e+00, v5;
	_ =	sdelay $0x1  }
0x8f: {  	v13 =	vadd.s32 $0x2800, v2;
	v3 =	vmul.f32 v5, v3  }
0x90: {  	v4 =	vmul.f32 v5, v59  }
0x91: {  	[tilespmem:v1+s17+$0x0] =	vst.idx.add.f32.msk $0xffff, v3;
	v1 =	vsub.f32 $0.0e+00, v3  }
0x92: {  	v3 =	vsub.f32 $0.0e+00, v4;
	[tilespmem:v12+s17+$0x0] =	vst.idx.add.f32.msk $0xffff, v4  }
0x93: {  	[tilespmem:v2+s17+$0x0] =	vst.idx.add.f32.msk $0xffff, v1  }
0x94: {  	[tilespmem:v13+s17+$0x0] =	vst.idx.add.f32.msk $0xffff, v3  }
0x95: {  	v1 =	vld [tilespmem:s25+$0x7830]  }
0x96: {  	v2 =	vld [tilespmem:s25+$0xA030];
	_ =	sdelay $0x6  }
0x97: {  	v3 =	vld.idx.msk [tilespmem:v1+s1+$0x0], $0xffff  }
0x98: {  	v14 =	vld.idx.msk [tilespmem:v2+s1+$0x0], $0xffff  }
0x99: {  	v15 =	vld.idx.msk [tilespmem:v1+s13+$0x0], $0xffff  }
0x9a: {  	v6 =	vld.idx.msk [tilespmem:v2+s13+$0x0], $0xffff;
	_ =	sdelay $0x4  }
0x9b: {  	v3 =	vsub.f32 v3, v14;
	v16 =	vsub.f32 v15, v6;
	_ =	sdelay $0x1  }
0x9c: {  	v17 =	vmul.f32 v3, v3;
	v6 =	vmul.f32 v16, v16;
	_ =	sdelay $0x1  }
0x9d: {  	v5 =	vadd.f32 v6, v17;
	_ =	sdelay $0x1  }
0x9e: {  	v6 =	vshra.s32 v5, $0x1;
	v18 =	vmul.f32 $5.000000000e-01, v5  }
0x9f: {  	v6 =	vsub.s32 $0x5F3759DF, v6  }
0xa0: {  	v19 =	vmul.f32 v6, v18;
	_ =	sdelay $0x1  }
0xa1: {  	v8 =	vmul.f32 v6, v19;
	_ =	sdelay $0x1  }
0xa2: {  	v8 =	vsub.f32 $1.500000000e+00, v8  }
0xa3: {  	v20 =	vld.idx.msk [tilespmem:v1+s14+$0x0], $0xffff  }
0xa4: {  	v6 =	vmul.f32 v6, v8;
	_ =	sdelay $0x1  }
0xa5: {  	v7 =	vmul.f32 v6, v18;
	_ =	sdelay $0x1  }
0xa6: {  	(erf) = vrcp.f32 v20;
	v7 =	vmul.f32 v7, v6;
	_ =	sdelay $0x1  }
0xa7: {  	v7 =	vsub.f32 $1.500000000e+00, v7;
	_ =	sdelay $0x1  }
0xa8: {  	v6 =	vmul.f32 v7, v6;
	_ =	sdelay $0x1  }
0xa9: {  	v5 =	vmul.f32 v6, v5;
	_ =	sdelay $0x1  }
0xaa: {  	v5 =	vadd.f32 $9.999999770e-03, v5  }
0xab: {  	v21 =	vpop (erf)  }
0xac: {  	v5 =	vmul.f32 v5, v21;
	_ =	sdelay $0x1  }
0xad: {  	v22 =	vadd.s32 $0x2800, v1;
	v5 =	vsub.f32 $0.0e+00, v5;
	_ =	sdelay $0x1  }
0xae: {  	v23 =	vadd.s32 $0x2800, v2;
	v3 =	vmul.f32 v5, v3  }
0xaf: {  	v4 =	vmul.f32 v5, v16  }
0xb0: {  	[tilespmem:v1+s17+$0x0] =	vst.idx.add.f32.msk $0xffff, v3;
	v1 =	vsub.f32 $0.0e+00, v3  }
0xb1: {  	v3 =	vsub.f32 $0.0e+00, v4;
	[tilespmem:v22+s17+$0x0] =	vst.idx.add.f32.msk $0xffff, v4  }
0xb2: {  	[tilespmem:v2+s17+$0x0] =	vst.idx.add.f32.msk $0xffff, v1  }
0xb3: {  	[tilespmem:v23+s17+$0x0] =	vst.idx.add.f32.msk $0xffff, v3  }
0xb4: {  	v1 =	vld [tilespmem:s25+$0x7840]  }
0xb5: {  	v2 =	vld [tilespmem:s25+$0xA040];
	_ =	sdelay $0x6  }
0xb6: {  	v3 =	vld.idx.msk [tilespmem:v1+s1+$0x0], $0xffff  }
0xb7: {  	v24 =	vld.idx.msk [tilespmem:v2+s1+$0x0], $0xffff  }
0xb8: {  	v25 =	vld.idx.msk [tilespmem:v1+s13+$0x0], $0xffff  }
0xb9: {  	v6 =	vld.idx.msk [tilespmem:v2+s13+$0x0], $0xffff;
	_ =	sdelay $0x4  }
0xba: {  	v3 =	vsub.f32 v3, v24;
	v26 =	vsub.f32 v25, v6;
	_ =	sdelay $0x1  }
0xbb: {  	v27 =	vmul.f32 v3, v3;
	v6 =	vmul.f32 v26, v26;
	_ =	sdelay $0x1  }
0xbc: {  	v5 =	vadd.f32 v6, v27;
	_ =	sdelay $0x1  }
0xbd: {  	v6 =	vshra.s32 v5, $0x1;
	v28 =	vmul.f32 $5.000000000e-01, v5  }
0xbe: {  	v6 =	vsub.s32 $0x5F3759DF, v6  }
0xbf: {  	v29 =	vmul.f32 v6, v28;
	_ =	sdelay $0x1  }
0xc0: {  	v8 =	vmul.f32 v6, v29;
	_ =	sdelay $0x1  }
0xc1: {  	v8 =	vsub.f32 $1.500000000e+00, v8  }
0xc2: {  	v30 =	vld.idx.msk [tilespmem:v1+s14+$0x0], $0xffff  }
0xc3: {  	v6 =	vmul.f32 v6, v8;
	_ =	sdelay $0x1  }
0xc4: {  	v7 =	vmul.f32 v6, v28;
	_ =	sdelay $0x1  }
0xc5: {  	(erf) = vrcp.f32 v30;
	v7 =	vmul.f32 v7, v6;
	_ =	sdelay $0x1  }
0xc6: {  	v7 =	vsub.f32 $1.500000000e+00, v7;
	_ =	sdelay $0x1  }
0xc7: {  	v6 =	vmul.f32 v7, v6;
	_ =	sdelay $0x1  }
0xc8: {  	v5 =	vmul.f32 v6, v5;
	_ =	sdelay $0x1  }
0xc9: {  	v5 =	vadd.f32 $9.999999770e-03, v5  }
0xca: {  	v31 =	vpop (erf)  }
0xcb: {  	v5 =	vmul.f32 v5, v31;
	_ =	sdelay $0x1  }
0xcc: {  	v32 =	vadd.s32 $0x2800, v1;
	v5 =	vsub.f32 $0.0e+00, v5;
	_ =	sdelay $0x1  }
0xcd: {  	v33 =	vadd.s32 $0x2800, v2;
	v3 =	vmul.f32 v5, v3  }
0xce: {  	v4 =	vmul.f32 v5, v26  }
0xcf: {  	[tilespmem:v1+s17+$0x0] =	vst.idx.add.f32.msk $0xffff, v3;
	v1 =	vsub.f32 $0.0e+00, v3  }
0xd0: {  	v3 =	vsub.f32 $0.0e+00, v4;
	[tilespmem:v32+s17+$0x0] =	vst.idx.add.f32.msk $0xffff, v4  }
0xd1: {  	[tilespmem:v2+s17+$0x0] =	vst.idx.add.f32.msk $0xffff, v1  }
0xd2: {  	[tilespmem:v33+s17+$0x0] =	vst.idx.add.f32.msk $0xffff, v3  }
0xd3: {  	v1 =	vld [tilespmem:s25+$0x7850]  }
0xd4: {  	v2 =	vld [tilespmem:s25+$0xA050];
	_ =	sdelay $0x6  }
0xd5: {  	v3 =	vld.idx.msk [tilespmem:v1+s1+$0x0], $0xffff  }
0xd6: {  	v34 =	vld.idx.msk [tilespmem:v2+s1+$0x0], $0xffff  }
0xd7: {  	v35 =	vld.idx.msk [tilespmem:v1+s13+$0x0], $0xffff  }
0xd8: {  	v6 =	vld.idx.msk [tilespmem:v2+s13+$0x0], $0xffff;
	_ =	sdelay $0x4  }
0xd9: {  	v3 =	vsub.f32 v3, v34;
	v36 =	vsub.f32 v35, v6;
	_ =	sdelay $0x1  }
0xda: {  	v37 =	vmul.f32 v3, v3;
	v6 =	vmul.f32 v36, v36;
	_ =	sdelay $0x1  }
0xdb: {  	v5 =	vadd.f32 v6, v37;
	_ =	sdelay $0x1  }
0xdc: {  	v6 =	vshra.s32 v5, $0x1;
	v38 =	vmul.f32 $5.000000000e-01, v5  }
0xdd: {  	v6 =	vsub.s32 $0x5F3759DF, v6  }
0xde: {  	v39 =	vmul.f32 v6, v38;
	_ =	sdelay $0x1  }
0xdf: {  	v8 =	vmul.f32 v6, v39;
	_ =	sdelay $0x1  }
0xe0: {  	v8 =	vsub.f32 $1.500000000e+00, v8  }
0xe1: {  	v40 =	vld.idx.msk [tilespmem:v1+s14+$0x0], $0xffff  }
0xe2: {  	v6 =	vmul.f32 v6, v8;
	_ =	sdelay $0x1  }
0xe3: {  	v7 =	vmul.f32 v6, v38;
	_ =	sdelay $0x1  }
0xe4: {  	(erf) = vrcp.f32 v40;
	v7 =	vmul.f32 v7, v6;
	_ =	sdelay $0x1  }
0xe5: {  	v7 =	vsub.f32 $1.500000000e+00, v7;
	_ =	sdelay $0x1  }
0xe6: {  	v6 =	vmul.f32 v7, v6;
	_ =	sdelay $0x1  }
0xe7: {  	v5 =	vmul.f32 v6, v5;
	_ =	sdelay $0x1  }
0xe8: {  	v5 =	vadd.f32 $9.999999770e-03, v5  }
0xe9: {  	v41 =	vpop (erf)  }
0xea: {  	v5 =	vmul.f32 v5, v41;
	_ =	sdelay $0x1  }
0xeb: {  	v42 =	vadd.s32 $0x2800, v1;
	v5 =	vsub.f32 $0.0e+00, v5;
	_ =	sdelay $0x1  }
0xec: {  	v43 =	vadd.s32 $0x2800, v2;
	v3 =	vmul.f32 v5, v3  }
0xed: {  	v4 =	vmul.f32 v5, v36  }
0xee: {  	[tilespmem:v1+s17+$0x0] =	vst.idx.add.f32.msk $0xffff, v3;
	v1 =	vsub.f32 $0.0e+00, v3  }
0xef: {  	v3 =	vsub.f32 $0.0e+00, v4;
	[tilespmem:v42+s17+$0x0] =	vst.idx.add.f32.msk $0xffff, v4  }
0xf0: {  	[tilespmem:v2+s17+$0x0] =	vst.idx.add.f32.msk $0xffff, v1  }
0xf1: {  	[tilespmem:v43+s17+$0x0] =	vst.idx.add.f32.msk $0xffff, v3  }
0xf2: {  	v1 =	vld [tilespmem:s25+$0x7860]  }
0xf3: {  	v2 =	vld [tilespmem:s25+$0xA060];
	_ =	sdelay $0x6  }
0xf4: {  	v3 =	vld.idx.msk [tilespmem:v1+s1+$0x0], $0xffff  }
0xf5: {  	v44 =	vld.idx.msk [tilespmem:v2+s1+$0x0], $0xffff  }
0xf6: {  	v45 =	vld.idx.msk [tilespmem:v1+s13+$0x0], $0xffff  }
0xf7: {  	v6 =	vld.idx.msk [tilespmem:v2+s13+$0x0], $0xffff;
	_ =	sdelay $0x4  }
0xf8: {  	v3 =	vsub.f32 v3, v44;
	v46 =	vsub.f32 v45, v6;
	_ =	sdelay $0x1  }
0xf9: {  	v47 =	vmul.f32 v3, v3;
	v6 =	vmul.f32 v46, v46;
	_ =	sdelay $0x1  }
0xfa: {  	v5 =	vadd.f32 v6, v47;
	_ =	sdelay $0x1  }
0xfb: {  	v6 =	vshra.s32 v5, $0x1;
	v48 =	vmul.f32 $5.000000000e-01, v5  }
0xfc: {  	v6 =	vsub.s32 $0x5F3759DF, v6  }
0xfd: {  	v49 =	vmul.f32 v6, v48;
	_ =	sdelay $0x1  }
0xfe: {  	v8 =	vmul.f32 v6, v49;
	_ =	sdelay $0x1  }
0xff: {  	v8 =	vsub.f32 $1.500000000e+00, v8  }
0x100: {  	v50 =	vld.idx.msk [tilespmem:v1+s14+$0x0], $0xffff  }
0x101: {  	v6 =	vmul.f32 v6, v8;
	_ =	sdelay $0x1  }
0x102: {  	v7 =	vmul.f32 v6, v48;
	_ =	sdelay $0x1  }
0x103: {  	(erf) = vrcp.f32 v50;
	v7 =	vmul.f32 v7, v6;
	_ =	sdelay $0x1  }
0x104: {  	v7 =	vsub.f32 $1.500000000e+00, v7;
	_ =	sdelay $0x1  }
0x105: {  	v6 =	vmul.f32 v7, v6;
	_ =	sdelay $0x1  }
0x106: {  	v5 =	vmul.f32 v6, v5;
	_ =	sdelay $0x1  }
0x107: {  	v5 =	vadd.f32 $9.999999770e-03, v5  }
0x108: {  	v51 =	vpop (erf)  }
0x109: {  	v5 =	vmul.f32 v5, v51;
	_ =	sdelay $0x1  }
0x10a: {  	v52 =	vadd.s32 $0x2800, v1;
	v5 =	vsub.f32 $0.0e+00, v5;
	_ =	sdelay $0x1  }
0x10b: {  	v53 =	vadd.s32 $0x2800, v2;
	v3 =	vmul.f32 v5, v3  }
0x10c: {  	v4 =	vmul.f32 v5, v46  }
0x10d: {  	[tilespmem:v1+s17+$0x0] =	vst.idx.add.f32.msk $0xffff, v3;
	v1 =	vsub.f32 $0.0e+00, v3  }
0x10e: {  	v3 =	vsub.f32 $0.0e+00, v4;
	[tilespmem:v52+s17+$0x0] =	vst.idx.add.f32.msk $0xffff, v4  }
0x10f: {  	[tilespmem:v2+s17+$0x0] =	vst.idx.add.f32.msk $0xffff, v1  }
0x110: {  	[tilespmem:v53+s17+$0x0] =	vst.idx.add.f32.msk $0xffff, v3  }
0x111: {  	v1 =	vld [tilespmem:s25+$0x7870]  }
0x112: {  	v2 =	vld [tilespmem:s25+$0xA070];
	_ =	sdelay $0x6  }
0x113: {  	v3 =	vld.idx.msk [tilespmem:v1+s1+$0x0], $0xffff  }
0x114: {  	v54 =	vld.idx.msk [tilespmem:v2+s1+$0x0], $0xffff  }
0x115: {  	v55 =	vld.idx.msk [tilespmem:v1+s13+$0x0], $0xffff  }
0x116: {  	v6 =	vld.idx.msk [tilespmem:v2+s13+$0x0], $0xffff;
	_ =	sdelay $0x4  }
0x117: {  	v3 =	vsub.f32 v3, v54;
	v56 =	vsub.f32 v55, v6;
	_ =	sdelay $0x1  }
0x118: {  	v57 =	vmul.f32 v3, v3;
	v6 =	vmul.f32 v56, v56;
	_ =	sdelay $0x1  }
0x119: {  	v5 =	vadd.f32 v6, v57;
	_ =	sdelay $0x1  }
0x11a: {  	v6 =	vshra.s32 v5, $0x1;
	v58 =	vmul.f32 $5.000000000e-01, v5  }
0x11b: {  	v6 =	vsub.s32 $0x5F3759DF, v6  }
0x11c: {  	v59 =	vmul.f32 v6, v58;
	_ =	sdelay $0x1  }
0x11d: {  	v8 =	vmul.f32 v6, v59;
	_ =	sdelay $0x1  }
0x11e: {  	v8 =	vsub.f32 $1.500000000e+00, v8  }
0x11f: {  	v60 =	vld.idx.msk [tilespmem:v1+s14+$0x0], $0xffff  }
0x120: {  	v6 =	vmul.f32 v6, v8;
	_ =	sdelay $0x1  }
0x121: {  	v7 =	vmul.f32 v6, v58;
	_ =	sdelay $0x1  }
0x122: {  	(erf) = vrcp.f32 v60;
	v7 =	vmul.f32 v7, v6;
	_ =	sdelay $0x1  }
0x123: {  	v7 =	vsub.f32 $1.500000000e+00, v7;
	_ =	sdelay $0x1  }
0x124: {  	v6 =	vmul.f32 v7, v6;
	_ =	sdelay $0x1  }
0x125: {  	v5 =	vmul.f32 v6, v5;
	_ =	sdelay $0x1  }
0x126: {  	v5 =	vadd.f32 $9.999999770e-03, v5  }
0x127: {  	v61 =	vpop (erf)  }
0x128: {  	v5 =	vmul.f32 v5, v61;
	_ =	sdelay $0x1  }
0x129: {  	v62 =	vadd.s32 $0x2800, v1;
	v5 =	vsub.f32 $0.0e+00, v5;
	_ =	sdelay $0x1  }
0x12a: {  	p0 =	sne.s32 s24, $0x9C00;
	v63 =	vadd.s32 $0x2800, v2;
	v3 =	vmul.f32 v5, v3  }
.Ltmp1:
0x12b: {  	v4 =	vmul.f32 v5, v56;
	(pc) =	sbr.rel @p0 .LBB2_4-.Ltmp1, $4  }
0x12c: {  	[tilespmem:v1+s17+$0x0] =	vst.idx.add.f32.msk $0xffff, v3;
	v1 =	vsub.f32 $0.0e+00, v3  }
0x12d: {  	v3 =	vsub.f32 $0.0e+00, v4;
	[tilespmem:v62+s17+$0x0] =	vst.idx.add.f32.msk $0xffff, v4  }
0x12e: {  	[tilespmem:v2+s17+$0x0] =	vst.idx.add.f32.msk $0xffff, v1  }
0x12f: {  	s24 =	sadd.s32 $0x200, s24;
	[tilespmem:v63+s17+$0x0] =	vst.idx.add.f32.msk $0xffff, v3  }
0x130: {  	[spmem:s8] =	stream.strided.scatter [tilespmem:s17], [sflag:$0x1], $0x5000, s19, s18, $0x38;
	[tilespmem:$0x17200] =	vst v63  }
0x131: {  	s24 =	simm.s32 $0x1  }
0x132: {  	_ =	swait.ge [sflag:s24], $0x5000  }
0x133: {  	[sflag:s24] =	ssyncset.done $0x0  }
0x134: {  	[sflag:s24] =	ssyncadd.s32 $0xFFFFB000  }
0x135: {  	[bflag:$0x0] =	sbarrier.arrive $0xFFFF  }
0x136: {  	[tilespmem:s20], [sflag:$0x1] =	stream.strided.gather [spmem:s9], $0x500, s19, s18, $0x38;
	[tilespmem:$0x17200] =	vst v63  }
0x137: {  	_ =	swait.ge [sflag:s24], $0x500  }
0x138: {  	[sflag:s24] =	ssyncset.done $0x0  }
0x139: {  	[sflag:s24] =	ssyncadd.s32 $0xFFFFFB00  }
.LBB2_6:
0x13a: {  	s25 =	sshrl.u32 s24, $0x3  }
0x13b: {  	s25 =	smul.u32 $0xA0000, s25;
	_ =	sdelay $0x1  }
0x13c: {  	s26 =	sshll.u32 s24, $0x7;
	s25 =	sshra.s32 s25, $0x2  }
0x13d: {  	s26 =	sand.u32 $0x380, s26;
	s25 =	sadd.s32 s25, s9  }
0x13e: {  	s25 =	sadd.s32 s26, s25  }
0x13f: {  	[tilespmem:s21], [sflag:$0x1] =	stream.strided.gather [spmem:s25], $0x500, s19, s18, $0x38;
	[tilespmem:$0x17200] =	vst v63  }
0x140: {  	_ =	swait.ge [sflag:s12], $0x500  }
0x141: {  	[sflag:s12] =	ssyncset.done $0x0  }
0x142: {  	s25 =	simm.s32 $0x0;
	[sflag:s12] =	ssyncadd.s32 $0xFFFFFB00  }
0x143: {  	v6 =	vld [tilespmem:s25+$0x11D00]  }
0x144: {  	v7 =	vld [tilespmem:s25+$0x11D10]  }
0x145: {  	v2 =	vld [tilespmem:s25+$0x11D20]  }
0x146: {  	v1 =	vld [tilespmem:s25+$0x11D30]  }
0x147: {  	v3 =	vld [tilespmem:s25+$0x11800]  }
0x148: {  	v5 =	vld [tilespmem:s25+$0x11810]  }
0x149: {  	s26 =	simm.s32 $0x100;
	v4 =	vld [tilespmem:s25+$0x11820]  }
.LBB2_7:
0x14a: {  	s28 =	sshra.s32 s26, $0x2;
	p0 =	sne.s32 s26, $0x1300;
	v8 =	vld [tilespmem:s25+$0x11830];
	v9 =	vmov v2  }
0x14b: {  	v10 =	vld [tilespmem:s28+$0x11D00];
	v11 =	vmov v1  }
0x14c: {  	v12 =	vld [tilespmem:s28+$0x11D10];
	v3 =	vadd.f32 v6, v3  }
.Ltmp2:
0x14d: {  	v2 =	vld [tilespmem:s28+$0x11D20];
	v5 =	vadd.f32 v7, v5;
	(pc) =	sbr.rel @p0 .LBB2_7-.Ltmp2, $4  }
0x14e: {  	v1 =	vld [tilespmem:s28+$0x11D30];
	[tilespmem:s25+$0x11800] =	vst v3;
	v4 =	vadd.f32 v9, v4  }
0x14f: {  	v3 =	vld [tilespmem:s28+$0x11800];
	[tilespmem:s25+$0x11810] =	vst v5;
	v8 =	vadd.f32 v11, v8  }
0x150: {  	v5 =	vld [tilespmem:s28+$0x11810];
	[tilespmem:s25+$0x11820] =	vst v4;
	v6 =	vmov v10  }
0x151: {  	s26 =	sadd.s32 $0x100, s26;
	v4 =	vld [tilespmem:s28+$0x11820];
	[tilespmem:s25+$0x11830] =	vst v8;
	v7 =	vmov v12;
	s25 =	smov.u32 s28  }
0x152: {  	v8 =	vld [tilespmem:s25+$0x11830]  }
0x153: {  	s24 =	sadd.s32 $0x1, s24  }
0x154: {  	p0 =	sne.s32 s24, $0x10;
	v3 =	vadd.f32 v6, v3  }
.Ltmp3:
0x155: {  	v5 =	vadd.f32 v7, v5;
	(pc) =	sbr.rel @p0 .LBB2_6-.Ltmp3, $4  }
0x156: {  	[tilespmem:s25+$0x11800] =	vst v3;
	v2 =	vadd.f32 v2, v4  }
0x157: {  	[tilespmem:s25+$0x11810] =	vst v5;
	v1 =	vadd.f32 v1, v8  }
0x158: {  	[tilespmem:s25+$0x11820] =	vst v2  }
0x159: {  	[tilespmem:s25+$0x11830] =	vst v1  }
0x15a: {  	s23 =	sadd.s32 $0x1, s23  }
0x15b: {  	p0 =	sne.s32 s23, s11  }
.Ltmp4:
0x15c: {  	_ = 	snop;
	(pc) =	sbr.rel @p0 .LBB2_1-.Ltmp4, $4  }
0x15d: {  	[hbm4b:s10+s18] =	stream.strided.scatter [tilespmem:s20], [sflag:$0x1], $0x500, s22, s18, $0x38;
	[tilespmem:$0x17200] =	vst v63  }
0x15e: {  	_ =	swait.ge [sflag:s12], $0x500  }
0x15f: {  	[sflag:s12] =	ssyncset.done $0x0  }
0x160: {  	[sflag:s12] =	ssyncadd.s32 $0xFFFFFB00  }
0x161: {  	_ =	sfence.sel $0x180000  }
0x162: {  	[bflag:$0x0] =	sbarrier.arrive $0xFFFF  }
0x163: {  	p0 =	sne.s32 s2, $0x0;
	_ =	strace $0x90000047  }
0x164: {  	s0 =	sadd.s32 @!p0 $0x100000, s0;
	[bflag:$0x2] =	sbarrier.arrive $0xFFFF  }
0x165: {  	[sflag:s0] =	ssyncadd.tile.s32 @!p0 $0x1;
	_ =	shalt  }
.Lfunc_end2:
_tile_overlayer_lowered:
.L_overlay_start_2:
0x166: {  	(tag) =	ssettag $0x2  }
0x167: {  	s0 =	rddreg [dreg:$0x0];
	s2 =	stileid.u32  }
0x168: {  	s1 =	rddreg [dreg:$0x1];
	p0 =	sne.s32 s2, $0x0  }
0x169: {  	s3 =	rddreg [dreg:$0x2];
	[bflag:$0x3] =	sbarrier.arrive $0xFFFF;
	s2 =	simm.s32 @!p0 $0x1C01  }
0x16a: {  	[timem:s3], [sflag:s2] =	dma.local @!p0 [hbm:s0], s1  }
0x16b: {  	s0 =	simm.s32 @!p0 $0x1  }
0x16c: {  	_ =	swait.ge @!p0 [sflag:s0], s1  }
0x16d: {  	s1 =	ssub.s32 @!p0 $0x0, s1;
	[sflag:s0] =	ssyncset.done @!p0 $0x0  }
0x16e: {  	[sflag:s0] =	ssyncadd.s32 @!p0 s1  }
0x16f: {  	[bflag:$0x3] =	sbarrier.arrive $0xFFFF  }
0x170: {  	_ =	shalt  }

</sc_bundles>
